<compile_context>
chip_gen: v7x
topology: tpu7x:2x2x1
jax: 0.10.2.dev20260603
libtpu: 0.0.44.dev20260713+nightly
codegen_flags: <defaults>
</compile_context>

<pallas_src>
import functools

import jax
import jax.numpy as jnp
from jax import lax
from jax.experimental import pallas as pl
from jax.experimental.pallas import tpu as pltpu
from jax.experimental.pallas import tpu_sc as plsc


@functools.cache
def _gather_kernel(N, D, NR):
    info = plsc.get_sparse_core_info()
    NC, NS, L = info.num_cores, info.num_subcores, info.num_lanes
    NW = NC * NS
    assert NR % NW == 0 and D % L == 0
    b_per_w = NR // NW
    CH = 16
    while b_per_w % CH:
        CH //= 2
    sched = [(o, CH) for o in range(0, b_per_w, CH)]
    nch = len(sched)
    NBUF = min(6, nch)
    mesh = plsc.VectorSubcoreMesh(core_axis_name="c", subcore_axis_name="s")

    @functools.partial(
        pl.kernel,
        mesh=mesh,
        out_type=jax.ShapeDtypeStruct((NR, 1, D), jnp.float32),
        scratch_types=[
            pltpu.VMEM((L,), jnp.int32),
            pltpu.VMEM((b_per_w,), jnp.int32),
            pltpu.VMEM((NBUF, CH, D), jnp.float32),
        ]
        + [pltpu.SemaphoreType.DMA] * (2 * NBUF),
    )
    def k(tab_hbm, ids_hbm, off_hbm, out_hbm, off_v, idx_v, ring, *sems):
        rsem, wsem = sems[:NBUF], sems[NBUF:]
        wid = lax.axis_index("s") * NC + lax.axis_index("c")
        base = wid * b_per_w
        idsh = pltpu.async_copy(
            ids_hbm.at[pl.ds(base, b_per_w)], idx_v, rsem[0])
        pltpu.sync_copy(off_hbm, off_v)
        ov = off_v[...]
        idsh.wait()
        for i in range(b_per_w // L):
            idx_v[pl.ds(i * L, L)] = idx_v[pl.ds(i * L, L)] + ov

        def start_gather(c):
            o, sz = sched[c]
            return pltpu.async_copy(
                tab_hbm.at[idx_v.at[pl.ds(o, sz)]],
                ring.at[c % NBUF, pl.ds(0, sz)], rsem[c % NBUF])

        def start_write(c):
            o, sz = sched[c]
            return pltpu.async_copy(
                ring.at[c % NBUF, pl.ds(0, sz)],
                out_hbm.at[pl.ds(base + o, sz), 0], wsem[c % NBUF])

        rh = [None] * NBUF
        wh = [None] * NBUF
        for c in range(NBUF):
            rh[c] = start_gather(c)
        for c in range(nch):
            rh[c % NBUF].wait()
            wh[c % NBUF] = start_write(c)
            if c + NBUF < nch:
                wh[c % NBUF].wait()
                rh[c % NBUF] = start_gather(c + NBUF)
        for c in range(nch):
            if c + NBUF >= nch:
                wh[c % NBUF].wait()

    return k


def kernel(tables, token_ids, group_idx):
    G, V, D = tables.shape
    B, S = token_ids.shape
    flat_tab = tables.reshape(G * V, D)
    ids = token_ids.reshape(B * S)
    off = jnp.broadcast_to(
        jnp.asarray(group_idx, jnp.int32) * jnp.int32(V), (16,))
    out = _gather_kernel(G * V, D, B * S)(flat_tab, ids, off)
    return out.reshape(B, S, D)

# --- scband reference (transcript-rebuilt; emitter-appended) ---
"""Pipeline reference for scband-code-predictor-embed-module-25589415149810 (READ-ONLY COPY).

The authoritative reference and input builder live on the scoring server;
editing this copy changes nothing except your own understanding.
"""

import jax, jax.numpy as jnp
import numpy as np

NUM_GROUPS = 7
VOCAB = 8192
EMBED_DIM = 1024
BATCH = 4096
SEQ = 1


def setup_inputs(seed: int = 0) -> dict:
    key = jax.random.key(seed)
    k1, k2 = jax.random.split(key)
    # Concatenated/stacked weight matrices for the ModuleList of nn.Embedding
    tables = jax.random.normal(k1, (NUM_GROUPS, VOCAB, EMBED_DIM), dtype=jnp.float32) * 0.02
    token_ids = jax.random.randint(k2, (BATCH, SEQ), 0, VOCAB, dtype=jnp.int32)
    group_idx = 3  # scalar group selector, 0 <= group_idx < NUM_GROUPS
    return {"tables": tables, "token_ids": token_ids, "group_idx": group_idx}


def reference(tables, token_ids, group_idx):
    # Faithful translation: embed token_ids through EVERY group's table,
    # stack along a new leading dim, then select the requested group.
    results = []
    for g in range(tables.shape[0]):
        results.append(jnp.take(tables[g], token_ids, axis=0))  # [B, S, D]
    stacked = jnp.stack(results, axis=0)  # [G, B, S, D]
    return stacked[group_idx]  # [B, S, D]

if __name__ == "__main__":
    import jax
    _d = setup_inputs()
    print(jax.jit(kernel)(*tuple(_d.values())))

</pallas_src>

<mosaic_0001>
#map = affine_map<(d0, d1) -> (0, 0)>
#map1 = affine_map<(d0, d1) -> (0)>
#map2 = affine_map<(d0, d1) -> (0, 0, 0)>
module attributes {stable_mosaic.version = 14 : i64} {
  func.func @k(%arg0: i32, %arg1: i32, %arg2: memref<57344x1024xf32, #tpu.memory_space<hbm>>, %arg3: memref<4096xi32, #tpu.memory_space<hbm>>, %arg4: memref<16xi32, #tpu.memory_space<hbm>>, %arg5: memref<4096x1x1024xf32, #tpu.memory_space<hbm>>, %arg6: memref<16xi32, #tpu.memory_space<vmem>>, %arg7: memref<128xi32, #tpu.memory_space<vmem>>, %arg8: memref<6x16x1024xf32, #tpu.memory_space<vmem>>, %arg9: memref<!tpu.dma_semaphore, #tpu.memory_space<semaphore_mem>>, %arg10: memref<!tpu.dma_semaphore, #tpu.memory_space<semaphore_mem>>, %arg11: memref<!tpu.dma_semaphore, #tpu.memory_space<semaphore_mem>>, %arg12: memref<!tpu.dma_semaphore, #tpu.memory_space<semaphore_mem>>, %arg13: memref<!tpu.dma_semaphore, #tpu.memory_space<semaphore_mem>>, %arg14: memref<!tpu.dma_semaphore, #tpu.memory_space<semaphore_mem>>, %arg15: memref<!tpu.dma_semaphore, #tpu.memory_space<semaphore_mem>>, %arg16: memref<!tpu.dma_semaphore, #tpu.memory_space<semaphore_mem>>, %arg17: memref<!tpu.dma_semaphore, #tpu.memory_space<semaphore_mem>>, %arg18: memref<!tpu.dma_semaphore, #tpu.memory_space<semaphore_mem>>, %arg19: memref<!tpu.dma_semaphore, #tpu.memory_space<semaphore_mem>>, %arg20: memref<!tpu.dma_semaphore, #tpu.memory_space<semaphore_mem>>) attributes {dimension_semantics = [#tpu.dimension_semantics<core_parallel>, #tpu.dimension_semantics<subcore_parallel>], iteration_bounds = array<i64: 2, 16>, scalar_prefetch = 0 : i64, scratch_operands = 15 : i64, tpu.core_type = #tpu.core_type<sc_vector_subcore>, window_params = [{transform_indices = #map}, {transform_indices = #map1}, {transform_indices = #map1}, {transform_indices = #map2}]} {
    %mul3A = arith.constant 2 : i32
    %mul3A_0 = arith.muli %arg1, %mul3A : i32
    %add3A = arith.addi %mul3A_0, %arg0 : i32
    %mul3A_1 = arith.constant 128 : i32
    %mul3A_2 = arith.muli %add3A, %mul3A_1 : i32
    %dma_start3A = tpu.memref_slice %arg3[%mul3A_2] : memref<4096xi32, #tpu.memory_space<hbm>> -> memref<128xi32, #tpu.memory_space<hbm>>
    %dma_start3A_3 = tpu.memref_slice %arg3[%mul3A_2] : memref<4096xi32, #tpu.memory_space<hbm>> -> memref<128xi32, #tpu.memory_space<hbm>>
    tpu.enqueue_dma source(%dma_start3A_3 : memref<128xi32, #tpu.memory_space<hbm>>) target(%arg7 : memref<128xi32, #tpu.memory_space<vmem>>) target_semaphore(%arg9 : memref<!tpu.dma_semaphore, #tpu.memory_space<semaphore_mem>>)
    "tpu.region"() ({
      %run_scoped3A = tpu.sem_alloc : memref<!tpu.dma_semaphore, #tpu.memory_space<semaphore_mem>>
      tpu.enqueue_dma source(%arg4 : memref<16xi32, #tpu.memory_space<hbm>>) target(%arg6 : memref<16xi32, #tpu.memory_space<vmem>>) target_semaphore(%run_scoped3A : memref<!tpu.dma_semaphore, #tpu.memory_space<semaphore_mem>>)
      tpu.wait_dma2 semaphore(%run_scoped3A : memref<!tpu.dma_semaphore, #tpu.memory_space<semaphore_mem>>) src(%arg4 : memref<16xi32, #tpu.memory_space<hbm>>) dst(%arg6 : memref<16xi32, #tpu.memory_space<vmem>>)
      tpu.yield
    }) : () -> ()
    %get3A = arith.constant 0 : index
    %get3A_4 = tpu.vector_load %arg6[%get3A] {strides = array<i32>} : memref<16xi32, #tpu.memory_space<vmem>>, vector<16xi32>,
    %get3A_5 = vector.shape_cast %get3A_4 : vector<16xi32> to vector<16xi32>
    %dma_wait3A = tpu.memref_slice %arg3[%mul3A_2] : memref<4096xi32, #tpu.memory_space<hbm>> -> memref<128xi32, #tpu.memory_space<hbm>>
    %dma_wait3A_6 = tpu.memref_slice %arg3[%mul3A_2] : memref<4096xi32, #tpu.memory_space<hbm>> -> memref<128xi32, #tpu.memory_space<hbm>>
    tpu.wait_dma2 semaphore(%arg9 : memref<!tpu.dma_semaphore, #tpu.memory_space<semaphore_mem>>) src(%dma_wait3A_6 : memref<128xi32, #tpu.memory_space<hbm>>) dst(%arg7 : memref<128xi32, #tpu.memory_space<vmem>>)
    %get3A_7 = arith.constant 0 : index
    %get3A_8 = tpu.vector_load %arg7[%get3A_7] {strides = array<i32>} : memref<128xi32, #tpu.memory_space<vmem>>, vector<16xi32>,
    %get3A_9 = vector.shape_cast %get3A_8 : vector<16xi32> to vector<16xi32>
    %add3A_10 = arith.addi %get3A_9, %get3A_5 : vector<16xi32>
    %swap3A = arith.constant 0 : index
    %swap3A_11 = tpu.vector_load %arg7[%swap3A] {strides = array<i32>} : memref<128xi32, #tpu.memory_space<vmem>>, vector<16xi32>,
    %swap3A_12 = vector.shape_cast %swap3A_11 : vector<16xi32> to vector<16xi32>
    %swap3A_13 = vector.shape_cast %add3A_10 : vector<16xi32> to vector<16xi32>
    tpu.vector_store %arg7[%swap3A], %swap3A_13 {strides = array<i32>} : memref<128xi32, #tpu.memory_space<vmem>>, vector<16xi32>,
    %get3A_14 = arith.constant 16 : index
    %get3A_15 = tpu.vector_load %arg7[%get3A_14] {strides = array<i32>} : memref<128xi32, #tpu.memory_space<vmem>>, vector<16xi32>,
    %get3A_16 = vector.shape_cast %get3A_15 : vector<16xi32> to vector<16xi32>
    %add3A_17 = arith.addi %get3A_16, %get3A_5 : vector<16xi32>
    %swap3A_18 = arith.constant 16 : index
    %swap3A_19 = tpu.vector_load %arg7[%swap3A_18] {strides = array<i32>} : memref<128xi32, #tpu.memory_space<vmem>>, vector<16xi32>,
    %swap3A_20 = vector.shape_cast %swap3A_19 : vector<16xi32> to vector<16xi32>
    %swap3A_21 = vector.shape_cast %add3A_17 : vector<16xi32> to vector<16xi32>
    tpu.vector_store %arg7[%swap3A_18], %swap3A_21 {strides = array<i32>} : memref<128xi32, #tpu.memory_space<vmem>>, vector<16xi32>,
    %get3A_22 = arith.constant 32 : index
    %get3A_23 = tpu.vector_load %arg7[%get3A_22] {strides = array<i32>} : memref<128xi32, #tpu.memory_space<vmem>>, vector<16xi32>,
    %get3A_24 = vector.shape_cast %get3A_23 : vector<16xi32> to vector<16xi32>
    %add3A_25 = arith.addi %get3A_24, %get3A_5 : vector<16xi32>
    %swap3A_26 = arith.constant 32 : index
    %swap3A_27 = tpu.vector_load %arg7[%swap3A_26] {strides = array<i32>} : memref<128xi32, #tpu.memory_space<vmem>>, vector<16xi32>,
    %swap3A_28 = vector.shape_cast %swap3A_27 : vector<16xi32> to vector<16xi32>
    %swap3A_29 = vector.shape_cast %add3A_25 : vector<16xi32> to vector<16xi32>
    tpu.vector_store %arg7[%swap3A_26], %swap3A_29 {strides = array<i32>} : memref<128xi32, #tpu.memory_space<vmem>>, vector<16xi32>,
    %get3A_30 = arith.constant 48 : index
    %get3A_31 = tpu.vector_load %arg7[%get3A_30] {strides = array<i32>} : memref<128xi32, #tpu.memory_space<vmem>>, vector<16xi32>,
    %get3A_32 = vector.shape_cast %get3A_31 : vector<16xi32> to vector<16xi32>
    %add3A_33 = arith.addi %get3A_32, %get3A_5 : vector<16xi32>
    %swap3A_34 = arith.constant 48 : index
    %swap3A_35 = tpu.vector_load %arg7[%swap3A_34] {strides = array<i32>} : memref<128xi32, #tpu.memory_space<vmem>>, vector<16xi32>,
    %swap3A_36 = vector.shape_cast %swap3A_35 : vector<16xi32> to vector<16xi32>
    %swap3A_37 = vector.shape_cast %add3A_33 : vector<16xi32> to vector<16xi32>
    tpu.vector_store %arg7[%swap3A_34], %swap3A_37 {strides = array<i32>} : memref<128xi32, #tpu.memory_space<vmem>>, vector<16xi32>,
    %get3A_38 = arith.constant 64 : index
    %get3A_39 = tpu.vector_load %arg7[%get3A_38] {strides = array<i32>} : memref<128xi32, #tpu.memory_space<vmem>>, vector<16xi32>,
    %get3A_40 = vector.shape_cast %get3A_39 : vector<16xi32> to vector<16xi32>
    %add3A_41 = arith.addi %get3A_40, %get3A_5 : vector<16xi32>
    %swap3A_42 = arith.constant 64 : index
    %swap3A_43 = tpu.vector_load %arg7[%swap3A_42] {strides = array<i32>} : memref<128xi32, #tpu.memory_space<vmem>>, vector<16xi32>,
    %swap3A_44 = vector.shape_cast %swap3A_43 : vector<16xi32> to vector<16xi32>
    %swap3A_45 = vector.shape_cast %add3A_41 : vector<16xi32> to vector<16xi32>
    tpu.vector_store %arg7[%swap3A_42], %swap3A_45 {strides = array<i32>} : memref<128xi32, #tpu.memory_space<vmem>>, vector<16xi32>,
    %get3A_46 = arith.constant 80 : index
    %get3A_47 = tpu.vector_load %arg7[%get3A_46] {strides = array<i32>} : memref<128xi32, #tpu.memory_space<vmem>>, vector<16xi32>,
    %get3A_48 = vector.shape_cast %get3A_47 : vector<16xi32> to vector<16xi32>
    %add3A_49 = arith.addi %get3A_48, %get3A_5 : vector<16xi32>
    %swap3A_50 = arith.constant 80 : index
    %swap3A_51 = tpu.vector_load %arg7[%swap3A_50] {strides = array<i32>} : memref<128xi32, #tpu.memory_space<vmem>>, vector<16xi32>,
    %swap3A_52 = vector.shape_cast %swap3A_51 : vector<16xi32> to vector<16xi32>
    %swap3A_53 = vector.shape_cast %add3A_49 : vector<16xi32> to vector<16xi32>
    tpu.vector_store %arg7[%swap3A_50], %swap3A_53 {strides = array<i32>} : memref<128xi32, #tpu.memory_space<vmem>>, vector<16xi32>,
    %get3A_54 = arith.constant 96 : index
    %get3A_55 = tpu.vector_load %arg7[%get3A_54] {strides = array<i32>} : memref<128xi32, #tpu.memory_space<vmem>>, vector<16xi32>,
    %get3A_56 = vector.shape_cast %get3A_55 : vector<16xi32> to vector<16xi32>
    %add3A_57 = arith.addi %get3A_56, %get3A_5 : vector<16xi32>
    %swap3A_58 = arith.constant 96 : index
    %swap3A_59 = tpu.vector_load %arg7[%swap3A_58] {strides = array<i32>} : memref<128xi32, #tpu.memory_space<vmem>>, vector<16xi32>,
    %swap3A_60 = vector.shape_cast %swap3A_59 : vector<16xi32> to vector<16xi32>
    %swap3A_61 = vector.shape_cast %add3A_57 : vector<16xi32> to vector<16xi32>
    tpu.vector_store %arg7[%swap3A_58], %swap3A_61 {strides = array<i32>} : memref<128xi32, #tpu.memory_space<vmem>>, vector<16xi32>,
    %get3A_62 = arith.constant 112 : index
    %get3A_63 = tpu.vector_load %arg7[%get3A_62] {strides = array<i32>} : memref<128xi32, #tpu.memory_space<vmem>>, vector<16xi32>,
    %get3A_64 = vector.shape_cast %get3A_63 : vector<16xi32> to vector<16xi32>
    %add3A_65 = arith.addi %get3A_64, %get3A_5 : vector<16xi32>
    %swap3A_66 = arith.constant 112 : index
    %swap3A_67 = tpu.vector_load %arg7[%swap3A_66] {strides = array<i32>} : memref<128xi32, #tpu.memory_space<vmem>>, vector<16xi32>,
    %swap3A_68 = vector.shape_cast %swap3A_67 : vector<16xi32> to vector<16xi32>
    %swap3A_69 = vector.shape_cast %add3A_65 : vector<16xi32> to vector<16xi32>
    tpu.vector_store %arg7[%swap3A_66], %swap3A_69 {strides = array<i32>} : memref<128xi32, #tpu.memory_space<vmem>>, vector<16xi32>,
    %dma_start3A_70 = arith.constant 0 : i32
    %dma_start3A_71 = arith.constant 0 : i32
    %dma_start3A_72 = arith.constant 0 : i32
    %dma_start3A_73 = tpu.memref_slice %arg8[%dma_start3A_70, %dma_start3A_71, %dma_start3A_72] : memref<6x16x1024xf32, #tpu.memory_space<vmem>> -> memref<1x16x1024xf32, #tpu.memory_space<vmem>>
    %dma_start3A_74 = tpu.memref_squeeze %dma_start3A_73 : memref<1x16x1024xf32, #tpu.memory_space<vmem>> -> memref<16x1024xf32, #tpu.memory_space<vmem>>
    %dma_start3A_75 = arith.constant 0 : i32
    %dma_start3A_76 = tpu.memref_slice %arg7[%dma_start3A_75] : memref<128xi32, #tpu.memory_space<vmem>> -> memref<16xi32, #tpu.memory_space<vmem>>
    %dma_start3A_77 = arith.constant 0 : i32
    %dma_start3A_78 = arith.constant 0 : i32
    %dma_start3A_79 = tpu.memref_slice %arg2[%dma_start3A_77, %dma_start3A_78] : memref<57344x1024xf32, #tpu.memory_space<hbm>> -> memref<57344x1024xf32, #tpu.memory_space<hbm>>
    tpu.enqueue_indirect_dma source(%dma_start3A_79 : memref<57344x1024xf32, #tpu.memory_space<hbm>>) target(%dma_start3A_74 : memref<16x1024xf32, #tpu.memory_space<vmem>>) offsets(%dma_start3A_76 : memref<16xi32, #tpu.memory_space<vmem>>) semaphore(%arg9 : memref<!tpu.dma_semaphore, #tpu.memory_space<semaphore_mem>>)
    %dma_start3A_80 = arith.constant 1 : i32
    %dma_start3A_81 = arith.constant 0 : i32
    %dma_start3A_82 = arith.constant 0 : i32
    %dma_start3A_83 = tpu.memref_slice %arg8[%dma_start3A_80, %dma_start3A_81, %dma_start3A_82] : memref<6x16x1024xf32, #tpu.memory_space<vmem>> -> memref<1x16x1024xf32, #tpu.memory_space<vmem>>
    %dma_start3A_84 = tpu.memref_squeeze %dma_start3A_83 : memref<1x16x1024xf32, #tpu.memory_space<vmem>> -> memref<16x1024xf32, #tpu.memory_space<vmem>>
    %dma_start3A_85 = arith.constant 16 : i32
    %dma_start3A_86 = tpu.memref_slice %arg7[%dma_start3A_85] : memref<128xi32, #tpu.memory_space<vmem>> -> memref<16xi32, #tpu.memory_space<vmem>>
    %dma_start3A_87 = arith.constant 0 : i32
    %dma_start3A_88 = arith.constant 0 : i32
    %dma_start3A_89 = tpu.memref_slice %arg2[%dma_start3A_87, %dma_start3A_88] : memref<57344x1024xf32, #tpu.memory_space<hbm>> -> memref<57344x1024xf32, #tpu.memory_space<hbm>>
    tpu.enqueue_indirect_dma source(%dma_start3A_89 : memref<57344x1024xf32, #tpu.memory_space<hbm>>) target(%dma_start3A_84 : memref<16x1024xf32, #tpu.memory_space<vmem>>) offsets(%dma_start3A_86 : memref<16xi32, #tpu.memory_space<vmem>>) semaphore(%arg10 : memref<!tpu.dma_semaphore, #tpu.memory_space<semaphore_mem>>)
    %dma_start3A_90 = arith.constant 2 : i32
    %dma_start3A_91 = arith.constant 0 : i32
    %dma_start3A_92 = arith.constant 0 : i32
    %dma_start3A_93 = tpu.memref_slice %arg8[%dma_start3A_90, %dma_start3A_91, %dma_start3A_92] : memref<6x16x1024xf32, #tpu.memory_space<vmem>> -> memref<1x16x1024xf32, #tpu.memory_space<vmem>>
    %dma_start3A_94 = tpu.memref_squeeze %dma_start3A_93 : memref<1x16x1024xf32, #tpu.memory_space<vmem>> -> memref<16x1024xf32, #tpu.memory_space<vmem>>
    %dma_start3A_95 = arith.constant 32 : i32
    %dma_start3A_96 = tpu.memref_slice %arg7[%dma_start3A_95] : memref<128xi32, #tpu.memory_space<vmem>> -> memref<16xi32, #tpu.memory_space<vmem>>
    %dma_start3A_97 = arith.constant 0 : i32
    %dma_start3A_98 = arith.constant 0 : i32
    %dma_start3A_99 = tpu.memref_slice %arg2[%dma_start3A_97, %dma_start3A_98] : memref<57344x1024xf32, #tpu.memory_space<hbm>> -> memref<57344x1024xf32, #tpu.memory_space<hbm>>
    tpu.enqueue_indirect_dma source(%dma_start3A_99 : memref<57344x1024xf32, #tpu.memory_space<hbm>>) target(%dma_start3A_94 : memref<16x1024xf32, #tpu.memory_space<vmem>>) offsets(%dma_start3A_96 : memref<16xi32, #tpu.memory_space<vmem>>) semaphore(%arg11 : memref<!tpu.dma_semaphore, #tpu.memory_space<semaphore_mem>>)
    %dma_start3A_100 = arith.constant 3 : i32
    %dma_start3A_101 = arith.constant 0 : i32
    %dma_start3A_102 = arith.constant 0 : i32
    %dma_start3A_103 = tpu.memref_slice %arg8[%dma_start3A_100, %dma_start3A_101, %dma_start3A_102] : memref<6x16x1024xf32, #tpu.memory_space<vmem>> -> memref<1x16x1024xf32, #tpu.memory_space<vmem>>
    %dma_start3A_104 = tpu.memref_squeeze %dma_start3A_103 : memref<1x16x1024xf32, #tpu.memory_space<vmem>> -> memref<16x1024xf32, #tpu.memory_space<vmem>>
    %dma_start3A_105 = arith.constant 48 : i32
    %dma_start3A_106 = tpu.memref_slice %arg7[%dma_start3A_105] : memref<128xi32, #tpu.memory_space<vmem>> -> memref<16xi32, #tpu.memory_space<vmem>>
    %dma_start3A_107 = arith.constant 0 : i32
    %dma_start3A_108 = arith.constant 0 : i32
    %dma_start3A_109 = tpu.memref_slice %arg2[%dma_start3A_107, %dma_start3A_108] : memref<57344x1024xf32, #tpu.memory_space<hbm>> -> memref<57344x1024xf32, #tpu.memory_space<hbm>>
    tpu.enqueue_indirect_dma source(%dma_start3A_109 : memref<57344x1024xf32, #tpu.memory_space<hbm>>) target(%dma_start3A_104 : memref<16x1024xf32, #tpu.memory_space<vmem>>) offsets(%dma_start3A_106 : memref<16xi32, #tpu.memory_space<vmem>>) semaphore(%arg12 : memref<!tpu.dma_semaphore, #tpu.memory_space<semaphore_mem>>)
    %dma_start3A_110 = arith.constant 4 : i32
    %dma_start3A_111 = arith.constant 0 : i32
    %dma_start3A_112 = arith.constant 0 : i32
    %dma_start3A_113 = tpu.memref_slice %arg8[%dma_start3A_110, %dma_start3A_111, %dma_start3A_112] : memref<6x16x1024xf32, #tpu.memory_space<vmem>> -> memref<1x16x1024xf32, #tpu.memory_space<vmem>>
    %dma_start3A_114 = tpu.memref_squeeze %dma_start3A_113 : memref<1x16x1024xf32, #tpu.memory_space<vmem>> -> memref<16x1024xf32, #tpu.memory_space<vmem>>
    %dma_start3A_115 = arith.constant 64 : i32
    %dma_start3A_116 = tpu.memref_slice %arg7[%dma_start3A_115] : memref<128xi32, #tpu.memory_space<vmem>> -> memref<16xi32, #tpu.memory_space<vmem>>
    %dma_start3A_117 = arith.constant 0 : i32
    %dma_start3A_118 = arith.constant 0 : i32
    %dma_start3A_119 = tpu.memref_slice %arg2[%dma_start3A_117, %dma_start3A_118] : memref<57344x1024xf32, #tpu.memory_space<hbm>> -> memref<57344x1024xf32, #tpu.memory_space<hbm>>
    tpu.enqueue_indirect_dma source(%dma_start3A_119 : memref<57344x1024xf32, #tpu.memory_space<hbm>>) target(%dma_start3A_114 : memref<16x1024xf32, #tpu.memory_space<vmem>>) offsets(%dma_start3A_116 : memref<16xi32, #tpu.memory_space<vmem>>) semaphore(%arg13 : memref<!tpu.dma_semaphore, #tpu.memory_space<semaphore_mem>>)
    %dma_start3A_120 = arith.constant 5 : i32
    %dma_start3A_121 = arith.constant 0 : i32
    %dma_start3A_122 = arith.constant 0 : i32
    %dma_start3A_123 = tpu.memref_slice %arg8[%dma_start3A_120, %dma_start3A_121, %dma_start3A_122] : memref<6x16x1024xf32, #tpu.memory_space<vmem>> -> memref<1x16x1024xf32, #tpu.memory_space<vmem>>
    %dma_start3A_124 = tpu.memref_squeeze %dma_start3A_123 : memref<1x16x1024xf32, #tpu.memory_space<vmem>> -> memref<16x1024xf32, #tpu.memory_space<vmem>>
    %dma_start3A_125 = arith.constant 80 : i32
    %dma_start3A_126 = tpu.memref_slice %arg7[%dma_start3A_125] : memref<128xi32, #tpu.memory_space<vmem>> -> memref<16xi32, #tpu.memory_space<vmem>>
    %dma_start3A_127 = arith.constant 0 : i32
    %dma_start3A_128 = arith.constant 0 : i32
    %dma_start3A_129 = tpu.memref_slice %arg2[%dma_start3A_127, %dma_start3A_128] : memref<57344x1024xf32, #tpu.memory_space<hbm>> -> memref<57344x1024xf32, #tpu.memory_space<hbm>>
    tpu.enqueue_indirect_dma source(%dma_start3A_129 : memref<57344x1024xf32, #tpu.memory_space<hbm>>) target(%dma_start3A_124 : memref<16x1024xf32, #tpu.memory_space<vmem>>) offsets(%dma_start3A_126 : memref<16xi32, #tpu.memory_space<vmem>>) semaphore(%arg14 : memref<!tpu.dma_semaphore, #tpu.memory_space<semaphore_mem>>)
    %dma_wait3A_130 = arith.constant 0 : i32
    %dma_wait3A_131 = arith.constant 0 : i32
    %dma_wait3A_132 = arith.constant 0 : i32
    %dma_wait3A_133 = tpu.memref_slice %arg8[%dma_wait3A_130, %dma_wait3A_131, %dma_wait3A_132] : memref<6x16x1024xf32, #tpu.memory_space<vmem>> -> memref<1x16x1024xf32, #tpu.memory_space<vmem>>
    %dma_wait3A_134 = tpu.memref_squeeze %dma_wait3A_133 : memref<1x16x1024xf32, #tpu.memory_space<vmem>> -> memref<16x1024xf32, #tpu.memory_space<vmem>>
    %dma_wait3A_135 = arith.constant 0 : i32
    %dma_wait3A_136 = tpu.memref_slice %arg7[%dma_wait3A_135] : memref<128xi32, #tpu.memory_space<vmem>> -> memref<16xi32, #tpu.memory_space<vmem>>
    %dma_wait3A_137 = arith.constant 0 : i32
    %dma_wait3A_138 = arith.constant 0 : i32
    %dma_wait3A_139 = tpu.memref_slice %arg2[%dma_wait3A_137, %dma_wait3A_138] : memref<57344x1024xf32, #tpu.memory_space<hbm>> -> memref<57344x1024xf32, #tpu.memory_space<hbm>>
    tpu.wait_indirect_dma semaphore(%arg9 : memref<!tpu.dma_semaphore, #tpu.memory_space<semaphore_mem>>) src(%dma_wait3A_139 : memref<57344x1024xf32, #tpu.memory_space<hbm>>) dst(%dma_wait3A_134 : memref<16x1024xf32, #tpu.memory_space<vmem>>)
    %add3A_140 = arith.constant 0 : i32
    %add3A_141 = arith.addi %mul3A_2, %add3A_140 : i32
    %dma_start3A_142 = arith.constant 0 : i32
    %dma_start3A_143 = arith.constant 0 : i32
    %dma_start3A_144 = arith.constant 0 : i32
    %dma_start3A_145 = arith.constant 0 : i32
    %dma_start3A_146 = tpu.memref_slice %arg8[%dma_start3A_142, %dma_start3A_144, %dma_start3A_145] : memref<6x16x1024xf32, #tpu.memory_space<vmem>> -> memref<1x16x1024xf32, #tpu.memory_space<vmem>>
    %dma_start3A_147 = tpu.memref_squeeze %dma_start3A_146 : memref<1x16x1024xf32, #tpu.memory_space<vmem>> -> memref<16x1024xf32, #tpu.memory_space<vmem>>
    %dma_start3A_148 = arith.constant 0 : i32
    %dma_start3A_149 = tpu.memref_slice %arg5[%add3A_141, %dma_start3A_143, %dma_start3A_148] : memref<4096x1x1024xf32, #tpu.memory_space<hbm>> -> memref<16x1x1024xf32, #tpu.memory_space<hbm>>
    %dma_start3A_150 = tpu.memref_squeeze %dma_start3A_149 : memref<16x1x1024xf32, #tpu.memory_space<hbm>> -> memref<16x1024xf32, #tpu.memory_space<hbm>>
    %dma_start3A_151 = arith.constant 0 : i32
    %dma_start3A_152 = tpu.memref_slice %arg5[%add3A_141, %dma_start3A_143, %dma_start3A_151] : memref<4096x1x1024xf32, #tpu.memory_space<hbm>> -> memref<16x1x1024xf32, #tpu.memory_space<hbm>>
    %dma_start3A_153 = tpu.memref_squeeze %dma_start3A_152 : memref<16x1x1024xf32, #tpu.memory_space<hbm>> -> memref<16x1024xf32, #tpu.memory_space<hbm>>
    %dma_start3A_154 = arith.constant 0 : i32
    %dma_start3A_155 = arith.constant 0 : i32
    %dma_start3A_156 = tpu.memref_slice %arg8[%dma_start3A_142, %dma_start3A_154, %dma_start3A_155] : memref<6x16x1024xf32, #tpu.memory_space<vmem>> -> memref<1x16x1024xf32, #tpu.memory_space<vmem>>
    %dma_start3A_157 = tpu.memref_squeeze %dma_start3A_156 : memref<1x16x1024xf32, #tpu.memory_space<vmem>> -> memref<16x1024xf32, #tpu.memory_space<vmem>>
    tpu.enqueue_dma source(%dma_start3A_157 : memref<16x1024xf32, #tpu.memory_space<vmem>>) target(%dma_start3A_153 : memref<16x1024xf32, #tpu.memory_space<hbm>>) target_semaphore(%arg15 : memref<!tpu.dma_semaphore, #tpu.memory_space<semaphore_mem>>)
    %dma_wait3A_158 = arith.constant 0 : i32
    %dma_wait3A_159 = arith.constant 0 : i32
    %dma_wait3A_160 = arith.constant 0 : i32
    %dma_wait3A_161 = arith.constant 0 : i32
    %dma_wait3A_162 = tpu.memref_slice %arg8[%dma_wait3A_158, %dma_wait3A_160, %dma_wait3A_161] : memref<6x16x1024xf32, #tpu.memory_space<vmem>> -> memref<1x16x1024xf32, #tpu.memory_space<vmem>>
    %dma_wait3A_163 = tpu.memref_squeeze %dma_wait3A_162 : memref<1x16x1024xf32, #tpu.memory_space<vmem>> -> memref<16x1024xf32, #tpu.memory_space<vmem>>
    %dma_wait3A_164 = arith.constant 0 : i32
    %dma_wait3A_165 = tpu.memref_slice %arg5[%add3A_141, %dma_wait3A_159, %dma_wait3A_164] : memref<4096x1x1024xf32, #tpu.memory_space<hbm>> -> memref<16x1x1024xf32, #tpu.memory_space<hbm>>
    %dma_wait3A_166 = tpu.memref_squeeze %dma_wait3A_165 : memref<16x1x1024xf32, #tpu.memory_space<hbm>> -> memref<16x1024xf32, #tpu.memory_space<hbm>>
    %dma_wait3A_167 = arith.constant 0 : i32
    %dma_wait3A_168 = tpu.memref_slice %arg5[%add3A_141, %dma_wait3A_159, %dma_wait3A_167] : memref<4096x1x1024xf32, #tpu.memory_space<hbm>> -> memref<16x1x1024xf32, #tpu.memory_space<hbm>>
    %dma_wait3A_169 = tpu.memref_squeeze %dma_wait3A_168 : memref<16x1x1024xf32, #tpu.memory_space<hbm>> -> memref<16x1024xf32, #tpu.memory_space<hbm>>
    %dma_wait3A_170 = arith.constant 0 : i32
    %dma_wait3A_171 = arith.constant 0 : i32
    %dma_wait3A_172 = tpu.memref_slice %arg8[%dma_wait3A_158, %dma_wait3A_170, %dma_wait3A_171] : memref<6x16x1024xf32, #tpu.memory_space<vmem>> -> memref<1x16x1024xf32, #tpu.memory_space<vmem>>
    %dma_wait3A_173 = tpu.memref_squeeze %dma_wait3A_172 : memref<1x16x1024xf32, #tpu.memory_space<vmem>> -> memref<16x1024xf32, #tpu.memory_space<vmem>>
    tpu.wait_dma2 semaphore(%arg15 : memref<!tpu.dma_semaphore, #tpu.memory_space<semaphore_mem>>) src(%dma_wait3A_173 : memref<16x1024xf32, #tpu.memory_space<vmem>>) dst(%dma_wait3A_169 : memref<16x1024xf32, #tpu.memory_space<hbm>>)
    %dma_start3A_174 = arith.constant 0 : i32
    %dma_start3A_175 = arith.constant 0 : i32
    %dma_start3A_176 = arith.constant 0 : i32
    %dma_start3A_177 = tpu.memref_slice %arg8[%dma_start3A_174, %dma_start3A_175, %dma_start3A_176] : memref<6x16x1024xf32, #tpu.memory_space<vmem>> -> memref<1x16x1024xf32, #tpu.memory_space<vmem>>
    %dma_start3A_178 = tpu.memref_squeeze %dma_start3A_177 : memref<1x16x1024xf32, #tpu.memory_space<vmem>> -> memref<16x1024xf32, #tpu.memory_space<vmem>>
    %dma_start3A_179 = arith.constant 96 : i32
    %dma_start3A_180 = tpu.memref_slice %arg7[%dma_start3A_179] : memref<128xi32, #tpu.memory_space<vmem>> -> memref<16xi32, #tpu.memory_space<vmem>>
    %dma_start3A_181 = arith.constant 0 : i32
    %dma_start3A_182 = arith.constant 0 : i32
    %dma_start3A_183 = tpu.memref_slice %arg2[%dma_start3A_181, %dma_start3A_182] : memref<57344x1024xf32, #tpu.memory_space<hbm>> -> memref<57344x1024xf32, #tpu.memory_space<hbm>>
    tpu.enqueue_indirect_dma source(%dma_start3A_183 : memref<57344x1024xf32, #tpu.memory_space<hbm>>) target(%dma_start3A_178 : memref<16x1024xf32, #tpu.memory_space<vmem>>) offsets(%dma_start3A_180 : memref<16xi32, #tpu.memory_space<vmem>>) semaphore(%arg9 : memref<!tpu.dma_semaphore, #tpu.memory_space<semaphore_mem>>)
    %dma_wait3A_184 = arith.constant 1 : i32
    %dma_wait3A_185 = arith.constant 0 : i32
    %dma_wait3A_186 = arith.constant 0 : i32
    %dma_wait3A_187 = tpu.memref_slice %arg8[%dma_wait3A_184, %dma_wait3A_185, %dma_wait3A_186] : memref<6x16x1024xf32, #tpu.memory_space<vmem>> -> memref<1x16x1024xf32, #tpu.memory_space<vmem>>
    %dma_wait3A_188 = tpu.memref_squeeze %dma_wait3A_187 : memref<1x16x1024xf32, #tpu.memory_space<vmem>> -> memref<16x1024xf32, #tpu.memory_space<vmem>>
    %dma_wait3A_189 = arith.constant 16 : i32
    %dma_wait3A_190 = tpu.memref_slice %arg7[%dma_wait3A_189] : memref<128xi32, #tpu.memory_space<vmem>> -> memref<16xi32, #tpu.memory_space<vmem>>
    %dma_wait3A_191 = arith.constant 0 : i32
    %dma_wait3A_192 = arith.constant 0 : i32
    %dma_wait3A_193 = tpu.memref_slice %arg2[%dma_wait3A_191, %dma_wait3A_192] : memref<57344x1024xf32, #tpu.memory_space<hbm>> -> memref<57344x1024xf32, #tpu.memory_space<hbm>>
    tpu.wait_indirect_dma semaphore(%arg10 : memref<!tpu.dma_semaphore, #tpu.memory_space<semaphore_mem>>) src(%dma_wait3A_193 : memref<57344x1024xf32, #tpu.memory_space<hbm>>) dst(%dma_wait3A_188 : memref<16x1024xf32, #tpu.memory_space<vmem>>)
    %add3A_194 = arith.constant 16 : i32
    %add3A_195 = arith.addi %mul3A_2, %add3A_194 : i32
    %dma_start3A_196 = arith.constant 1 : i32
    %dma_start3A_197 = arith.constant 0 : i32
    %dma_start3A_198 = arith.constant 0 : i32
    %dma_start3A_199 = arith.constant 0 : i32
    %dma_start3A_200 = tpu.memref_slice %arg8[%dma_start3A_196, %dma_start3A_198, %dma_start3A_199] : memref<6x16x1024xf32, #tpu.memory_space<vmem>> -> memref<1x16x1024xf32, #tpu.memory_space<vmem>>
    %dma_start3A_201 = tpu.memref_squeeze %dma_start3A_200 : memref<1x16x1024xf32, #tpu.memory_space<vmem>> -> memref<16x1024xf32, #tpu.memory_space<vmem>>
    %dma_start3A_202 = arith.constant 0 : i32
    %dma_start3A_203 = tpu.memref_slice %arg5[%add3A_195, %dma_start3A_197, %dma_start3A_202] : memref<4096x1x1024xf32, #tpu.memory_space<hbm>> -> memref<16x1x1024xf32, #tpu.memory_space<hbm>>
    %dma_start3A_204 = tpu.memref_squeeze %dma_start3A_203 : memref<16x1x1024xf32, #tpu.memory_space<hbm>> -> memref<16x1024xf32, #tpu.memory_space<hbm>>
    %dma_start3A_205 = arith.constant 0 : i32
    %dma_start3A_206 = tpu.memref_slice %arg5[%add3A_195, %dma_start3A_197, %dma_start3A_205] : memref<4096x1x1024xf32, #tpu.memory_space<hbm>> -> memref<16x1x1024xf32, #tpu.memory_space<hbm>>
    %dma_start3A_207 = tpu.memref_squeeze %dma_start3A_206 : memref<16x1x1024xf32, #tpu.memory_space<hbm>> -> memref<16x1024xf32, #tpu.memory_space<hbm>>
    %dma_start3A_208 = arith.constant 0 : i32
    %dma_start3A_209 = arith.constant 0 : i32
    %dma_start3A_210 = tpu.memref_slice %arg8[%dma_start3A_196, %dma_start3A_208, %dma_start3A_209] : memref<6x16x1024xf32, #tpu.memory_space<vmem>> -> memref<1x16x1024xf32, #tpu.memory_space<vmem>>
    %dma_start3A_211 = tpu.memref_squeeze %dma_start3A_210 : memref<1x16x1024xf32, #tpu.memory_space<vmem>> -> memref<16x1024xf32, #tpu.memory_space<vmem>>
    tpu.enqueue_dma source(%dma_start3A_211 : memref<16x1024xf32, #tpu.memory_space<vmem>>) target(%dma_start3A_207 : memref<16x1024xf32, #tpu.memory_space<hbm>>) target_semaphore(%arg16 : memref<!tpu.dma_semaphore, #tpu.memory_space<semaphore_mem>>)
    %dma_wait3A_212 = arith.constant 1 : i32
    %dma_wait3A_213 = arith.constant 0 : i32
    %dma_wait3A_214 = arith.constant 0 : i32
    %dma_wait3A_215 = arith.constant 0 : i32
    %dma_wait3A_216 = tpu.memref_slice %arg8[%dma_wait3A_212, %dma_wait3A_214, %dma_wait3A_215] : memref<6x16x1024xf32, #tpu.memory_space<vmem>> -> memref<1x16x1024xf32, #tpu.memory_space<vmem>>
    %dma_wait3A_217 = tpu.memref_squeeze %dma_wait3A_216 : memref<1x16x1024xf32, #tpu.memory_space<vmem>> -> memref<16x1024xf32, #tpu.memory_space<vmem>>
    %dma_wait3A_218 = arith.constant 0 : i32
    %dma_wait3A_219 = tpu.memref_slice %arg5[%add3A_195, %dma_wait3A_213, %dma_wait3A_218] : memref<4096x1x1024xf32, #tpu.memory_space<hbm>> -> memref<16x1x1024xf32, #tpu.memory_space<hbm>>
    %dma_wait3A_220 = tpu.memref_squeeze %dma_wait3A_219 : memref<16x1x1024xf32, #tpu.memory_space<hbm>> -> memref<16x1024xf32, #tpu.memory_space<hbm>>
    %dma_wait3A_221 = arith.constant 0 : i32
    %dma_wait3A_222 = tpu.memref_slice %arg5[%add3A_195, %dma_wait3A_213, %dma_wait3A_221] : memref<4096x1x1024xf32, #tpu.memory_space<hbm>> -> memref<16x1x1024xf32, #tpu.memory_space<hbm>>
    %dma_wait3A_223 = tpu.memref_squeeze %dma_wait3A_222 : memref<16x1x1024xf32, #tpu.memory_space<hbm>> -> memref<16x1024xf32, #tpu.memory_space<hbm>>
    %dma_wait3A_224 = arith.constant 0 : i32
    %dma_wait3A_225 = arith.constant 0 : i32
    %dma_wait3A_226 = tpu.memref_slice %arg8[%dma_wait3A_212, %dma_wait3A_224, %dma_wait3A_225] : memref<6x16x1024xf32, #tpu.memory_space<vmem>> -> memref<1x16x1024xf32, #tpu.memory_space<vmem>>
    %dma_wait3A_227 = tpu.memref_squeeze %dma_wait3A_226 : memref<1x16x1024xf32, #tpu.memory_space<vmem>> -> memref<16x1024xf32, #tpu.memory_space<vmem>>
    tpu.wait_dma2 semaphore(%arg16 : memref<!tpu.dma_semaphore, #tpu.memory_space<semaphore_mem>>) src(%dma_wait3A_227 : memref<16x1024xf32, #tpu.memory_space<vmem>>) dst(%dma_wait3A_223 : memref<16x1024xf32, #tpu.memory_space<hbm>>)
    %dma_start3A_228 = arith.constant 1 : i32
    %dma_start3A_229 = arith.constant 0 : i32
    %dma_start3A_230 = arith.constant 0 : i32
    %dma_start3A_231 = tpu.memref_slice %arg8[%dma_start3A_228, %dma_start3A_229, %dma_start3A_230] : memref<6x16x1024xf32, #tpu.memory_space<vmem>> -> memref<1x16x1024xf32, #tpu.memory_space<vmem>>
    %dma_start3A_232 = tpu.memref_squeeze %dma_start3A_231 : memref<1x16x1024xf32, #tpu.memory_space<vmem>> -> memref<16x1024xf32, #tpu.memory_space<vmem>>
    %dma_start3A_233 = arith.constant 112 : i32
    %dma_start3A_234 = tpu.memref_slice %arg7[%dma_start3A_233] : memref<128xi32, #tpu.memory_space<vmem>> -> memref<16xi32, #tpu.memory_space<vmem>>
    %dma_start3A_235 = arith.constant 0 : i32
    %dma_start3A_236 = arith.constant 0 : i32
    %dma_start3A_237 = tpu.memref_slice %arg2[%dma_start3A_235, %dma_start3A_236] : memref<57344x1024xf32, #tpu.memory_space<hbm>> -> memref<57344x1024xf32, #tpu.memory_space<hbm>>
    tpu.enqueue_indirect_dma source(%dma_start3A_237 : memref<57344x1024xf32, #tpu.memory_space<hbm>>) target(%dma_start3A_232 : memref<16x1024xf32, #tpu.memory_space<vmem>>) offsets(%dma_start3A_234 : memref<16xi32, #tpu.memory_space<vmem>>) semaphore(%arg10 : memref<!tpu.dma_semaphore, #tpu.memory_space<semaphore_mem>>)
    %dma_wait3A_238 = arith.constant 2 : i32
    %dma_wait3A_239 = arith.constant 0 : i32
    %dma_wait3A_240 = arith.constant 0 : i32
    %dma_wait3A_241 = tpu.memref_slice %arg8[%dma_wait3A_238, %dma_wait3A_239, %dma_wait3A_240] : memref<6x16x1024xf32, #tpu.memory_space<vmem>> -> memref<1x16x1024xf32, #tpu.memory_space<vmem>>
    %dma_wait3A_242 = tpu.memref_squeeze %dma_wait3A_241 : memref<1x16x1024xf32, #tpu.memory_space<vmem>> -> memref<16x1024xf32, #tpu.memory_space<vmem>>
    %dma_wait3A_243 = arith.constant 32 : i32
    %dma_wait3A_244 = tpu.memref_slice %arg7[%dma_wait3A_243] : memref<128xi32, #tpu.memory_space<vmem>> -> memref<16xi32, #tpu.memory_space<vmem>>
    %dma_wait3A_245 = arith.constant 0 : i32
    %dma_wait3A_246 = arith.constant 0 : i32
    %dma_wait3A_247 = tpu.memref_slice %arg2[%dma_wait3A_245, %dma_wait3A_246] : memref<57344x1024xf32, #tpu.memory_space<hbm>> -> memref<57344x1024xf32, #tpu.memory_space<hbm>>
    tpu.wait_indirect_dma semaphore(%arg11 : memref<!tpu.dma_semaphore, #tpu.memory_space<semaphore_mem>>) src(%dma_wait3A_247 : memref<57344x1024xf32, #tpu.memory_space<hbm>>) dst(%dma_wait3A_242 : memref<16x1024xf32, #tpu.memory_space<vmem>>)
    %add3A_248 = arith.constant 32 : i32
    %add3A_249 = arith.addi %mul3A_2, %add3A_248 : i32
    %dma_start3A_250 = arith.constant 2 : i32
    %dma_start3A_251 = arith.constant 0 : i32
    %dma_start3A_252 = arith.constant 0 : i32
    %dma_start3A_253 = arith.constant 0 : i32
    %dma_start3A_254 = tpu.memref_slice %arg8[%dma_start3A_250, %dma_start3A_252, %dma_start3A_253] : memref<6x16x1024xf32, #tpu.memory_space<vmem>> -> memref<1x16x1024xf32, #tpu.memory_space<vmem>>
    %dma_start3A_255 = tpu.memref_squeeze %dma_start3A_254 : memref<1x16x1024xf32, #tpu.memory_space<vmem>> -> memref<16x1024xf32, #tpu.memory_space<vmem>>
    %dma_start3A_256 = arith.constant 0 : i32
    %dma_start3A_257 = tpu.memref_slice %arg5[%add3A_249, %dma_start3A_251, %dma_start3A_256] : memref<4096x1x1024xf32, #tpu.memory_space<hbm>> -> memref<16x1x1024xf32, #tpu.memory_space<hbm>>
    %dma_start3A_258 = tpu.memref_squeeze %dma_start3A_257 : memref<16x1x1024xf32, #tpu.memory_space<hbm>> -> memref<16x1024xf32, #tpu.memory_space<hbm>>
    %dma_start3A_259 = arith.constant 0 : i32
    %dma_start3A_260 = tpu.memref_slice %arg5[%add3A_249, %dma_start3A_251, %dma_start3A_259] : memref<4096x1x1024xf32, #tpu.memory_space<hbm>> -> memref<16x1x1024xf32, #tpu.memory_space<hbm>>
    %dma_start3A_261 = tpu.memref_squeeze %dma_start3A_260 : memref<16x1x1024xf32, #tpu.memory_space<hbm>> -> memref<16x1024xf32, #tpu.memory_space<hbm>>
    %dma_start3A_262 = arith.constant 0 : i32
    %dma_start3A_263 = arith.constant 0 : i32
    %dma_start3A_264 = tpu.memref_slice %arg8[%dma_start3A_250, %dma_start3A_262, %dma_start3A_263] : memref<6x16x1024xf32, #tpu.memory_space<vmem>> -> memref<1x16x1024xf32, #tpu.memory_space<vmem>>
    %dma_start3A_265 = tpu.memref_squeeze %dma_start3A_264 : memref<1x16x1024xf32, #tpu.memory_space<vmem>> -> memref<16x1024xf32, #tpu.memory_space<vmem>>
    tpu.enqueue_dma source(%dma_start3A_265 : memref<16x1024xf32, #tpu.memory_space<vmem>>) target(%dma_start3A_261 : memref<16x1024xf32, #tpu.memory_space<hbm>>) target_semaphore(%arg17 : memref<!tpu.dma_semaphore, #tpu.memory_space<semaphore_mem>>)
    %dma_wait3A_266 = arith.constant 3 : i32
    %dma_wait3A_267 = arith.constant 0 : i32
    %dma_wait3A_268 = arith.constant 0 : i32
    %dma_wait3A_269 = tpu.memref_slice %arg8[%dma_wait3A_266, %dma_wait3A_267, %dma_wait3A_268] : memref<6x16x1024xf32, #tpu.memory_space<vmem>> -> memref<1x16x1024xf32, #tpu.memory_space<vmem>>
    %dma_wait3A_270 = tpu.memref_squeeze %dma_wait3A_269 : memref<1x16x1024xf32, #tpu.memory_space<vmem>> -> memref<16x1024xf32, #tpu.memory_space<vmem>>
    %dma_wait3A_271 = arith.constant 48 : i32
    %dma_wait3A_272 = tpu.memref_slice %arg7[%dma_wait3A_271] : memref<128xi32, #tpu.memory_space<vmem>> -> memref<16xi32, #tpu.memory_space<vmem>>
    %dma_wait3A_273 = arith.constant 0 : i32
    %dma_wait3A_274 = arith.constant 0 : i32
    %dma_wait3A_275 = tpu.memref_slice %arg2[%dma_wait3A_273, %dma_wait3A_274] : memref<57344x1024xf32, #tpu.memory_space<hbm>> -> memref<57344x1024xf32, #tpu.memory_space<hbm>>
    tpu.wait_indirect_dma semaphore(%arg12 : memref<!tpu.dma_semaphore, #tpu.memory_space<semaphore_mem>>) src(%dma_wait3A_275 : memref<57344x1024xf32, #tpu.memory_space<hbm>>) dst(%dma_wait3A_270 : memref<16x1024xf32, #tpu.memory_space<vmem>>)
    %add3A_276 = arith.constant 48 : i32
    %add3A_277 = arith.addi %mul3A_2, %add3A_276 : i32
    %dma_start3A_278 = arith.constant 3 : i32
    %dma_start3A_279 = arith.constant 0 : i32
    %dma_start3A_280 = arith.constant 0 : i32
    %dma_start3A_281 = arith.constant 0 : i32
    %dma_start3A_282 = tpu.memref_slice %arg8[%dma_start3A_278, %dma_start3A_280, %dma_start3A_281] : memref<6x16x1024xf32, #tpu.memory_space<vmem>> -> memref<1x16x1024xf32, #tpu.memory_space<vmem>>
    %dma_start3A_283 = tpu.memref_squeeze %dma_start3A_282 : memref<1x16x1024xf32, #tpu.memory_space<vmem>> -> memref<16x1024xf32, #tpu.memory_space<vmem>>
    %dma_start3A_284 = arith.constant 0 : i32
    %dma_start3A_285 = tpu.memref_slice %arg5[%add3A_277, %dma_start3A_279, %dma_start3A_284] : memref<4096x1x1024xf32, #tpu.memory_space<hbm>> -> memref<16x1x1024xf32, #tpu.memory_space<hbm>>
    %dma_start3A_286 = tpu.memref_squeeze %dma_start3A_285 : memref<16x1x1024xf32, #tpu.memory_space<hbm>> -> memref<16x1024xf32, #tpu.memory_space<hbm>>
    %dma_start3A_287 = arith.constant 0 : i32
    %dma_start3A_288 = tpu.memref_slice %arg5[%add3A_277, %dma_start3A_279, %dma_start3A_287] : memref<4096x1x1024xf32, #tpu.memory_space<hbm>> -> memref<16x1x1024xf32, #tpu.memory_space<hbm>>
    %dma_start3A_289 = tpu.memref_squeeze %dma_start3A_288 : memref<16x1x1024xf32, #tpu.memory_space<hbm>> -> memref<16x1024xf32, #tpu.memory_space<hbm>>
    %dma_start3A_290 = arith.constant 0 : i32
    %dma_start3A_291 = arith.constant 0 : i32
    %dma_start3A_292 = tpu.memref_slice %arg8[%dma_start3A_278, %dma_start3A_290, %dma_start3A_291] : memref<6x16x1024xf32, #tpu.memory_space<vmem>> -> memref<1x16x1024xf32, #tpu.memory_space<vmem>>
    %dma_start3A_293 = tpu.memref_squeeze %dma_start3A_292 : memref<1x16x1024xf32, #tpu.memory_space<vmem>> -> memref<16x1024xf32, #tpu.memory_space<vmem>>
    tpu.enqueue_dma source(%dma_start3A_293 : memref<16x1024xf32, #tpu.memory_space<vmem>>) target(%dma_start3A_289 : memref<16x1024xf32, #tpu.memory_space<hbm>>) target_semaphore(%arg18 : memref<!tpu.dma_semaphore, #tpu.memory_space<semaphore_mem>>)
    %dma_wait3A_294 = arith.constant 4 : i32
    %dma_wait3A_295 = arith.constant 0 : i32
    %dma_wait3A_296 = arith.constant 0 : i32
    %dma_wait3A_297 = tpu.memref_slice %arg8[%dma_wait3A_294, %dma_wait3A_295, %dma_wait3A_296] : memref<6x16x1024xf32, #tpu.memory_space<vmem>> -> memref<1x16x1024xf32, #tpu.memory_space<vmem>>
    %dma_wait3A_298 = tpu.memref_squeeze %dma_wait3A_297 : memref<1x16x1024xf32, #tpu.memory_space<vmem>> -> memref<16x1024xf32, #tpu.memory_space<vmem>>
    %dma_wait3A_299 = arith.constant 64 : i32
    %dma_wait3A_300 = tpu.memref_slice %arg7[%dma_wait3A_299] : memref<128xi32, #tpu.memory_space<vmem>> -> memref<16xi32, #tpu.memory_space<vmem>>
    %dma_wait3A_301 = arith.constant 0 : i32
    %dma_wait3A_302 = arith.constant 0 : i32
    %dma_wait3A_303 = tpu.memref_slice %arg2[%dma_wait3A_301, %dma_wait3A_302] : memref<57344x1024xf32, #tpu.memory_space<hbm>> -> memref<57344x1024xf32, #tpu.memory_space<hbm>>
    tpu.wait_indirect_dma semaphore(%arg13 : memref<!tpu.dma_semaphore, #tpu.memory_space<semaphore_mem>>) src(%dma_wait3A_303 : memref<57344x1024xf32, #tpu.memory_space<hbm>>) dst(%dma_wait3A_298 : memref<16x1024xf32, #tpu.memory_space<vmem>>)
    %add3A_304 = arith.constant 64 : i32
    %add3A_305 = arith.addi %mul3A_2, %add3A_304 : i32
    %dma_start3A_306 = arith.constant 4 : i32
    %dma_start3A_307 = arith.constant 0 : i32
    %dma_start3A_308 = arith.constant 0 : i32
    %dma_start3A_309 = arith.constant 0 : i32
    %dma_start3A_310 = tpu.memref_slice %arg8[%dma_start3A_306, %dma_start3A_308, %dma_start3A_309] : memref<6x16x1024xf32, #tpu.memory_space<vmem>> -> memref<1x16x1024xf32, #tpu.memory_space<vmem>>
    %dma_start3A_311 = tpu.memref_squeeze %dma_start3A_310 : memref<1x16x1024xf32, #tpu.memory_space<vmem>> -> memref<16x1024xf32, #tpu.memory_space<vmem>>
    %dma_start3A_312 = arith.constant 0 : i32
    %dma_start3A_313 = tpu.memref_slice %arg5[%add3A_305, %dma_start3A_307, %dma_start3A_312] : memref<4096x1x1024xf32, #tpu.memory_space<hbm>> -> memref<16x1x1024xf32, #tpu.memory_space<hbm>>
    %dma_start3A_314 = tpu.memref_squeeze %dma_start3A_313 : memref<16x1x1024xf32, #tpu.memory_space<hbm>> -> memref<16x1024xf32, #tpu.memory_space<hbm>>
    %dma_start3A_315 = arith.constant 0 : i32
    %dma_start3A_316 = tpu.memref_slice %arg5[%add3A_305, %dma_start3A_307, %dma_start3A_315] : memref<4096x1x1024xf32, #tpu.memory_space<hbm>> -> memref<16x1x1024xf32, #tpu.memory_space<hbm>>
    %dma_start3A_317 = tpu.memref_squeeze %dma_start3A_316 : memref<16x1x1024xf32, #tpu.memory_space<hbm>> -> memref<16x1024xf32, #tpu.memory_space<hbm>>
    %dma_start3A_318 = arith.constant 0 : i32
    %dma_start3A_319 = arith.constant 0 : i32
    %dma_start3A_320 = tpu.memref_slice %arg8[%dma_start3A_306, %dma_start3A_318, %dma_start3A_319] : memref<6x16x1024xf32, #tpu.memory_space<vmem>> -> memref<1x16x1024xf32, #tpu.memory_space<vmem>>
    %dma_start3A_321 = tpu.memref_squeeze %dma_start3A_320 : memref<1x16x1024xf32, #tpu.memory_space<vmem>> -> memref<16x1024xf32, #tpu.memory_space<vmem>>
    tpu.enqueue_dma source(%dma_start3A_321 : memref<16x1024xf32, #tpu.memory_space<vmem>>) target(%dma_start3A_317 : memref<16x1024xf32, #tpu.memory_space<hbm>>) target_semaphore(%arg19 : memref<!tpu.dma_semaphore, #tpu.memory_space<semaphore_mem>>)
    %dma_wait3A_322 = arith.constant 5 : i32
    %dma_wait3A_323 = arith.constant 0 : i32
    %dma_wait3A_324 = arith.constant 0 : i32
    %dma_wait3A_325 = tpu.memref_slice %arg8[%dma_wait3A_322, %dma_wait3A_323, %dma_wait3A_324] : memref<6x16x1024xf32, #tpu.memory_space<vmem>> -> memref<1x16x1024xf32, #tpu.memory_space<vmem>>
    %dma_wait3A_326 = tpu.memref_squeeze %dma_wait3A_325 : memref<1x16x1024xf32, #tpu.memory_space<vmem>> -> memref<16x1024xf32, #tpu.memory_space<vmem>>
    %dma_wait3A_327 = arith.constant 80 : i32
    %dma_wait3A_328 = tpu.memref_slice %arg7[%dma_wait3A_327] : memref<128xi32, #tpu.memory_space<vmem>> -> memref<16xi32, #tpu.memory_space<vmem>>
    %dma_wait3A_329 = arith.constant 0 : i32
    %dma_wait3A_330 = arith.constant 0 : i32
    %dma_wait3A_331 = tpu.memref_slice %arg2[%dma_wait3A_329, %dma_wait3A_330] : memref<57344x1024xf32, #tpu.memory_space<hbm>> -> memref<57344x1024xf32, #tpu.memory_space<hbm>>
    tpu.wait_indirect_dma semaphore(%arg14 : memref<!tpu.dma_semaphore, #tpu.memory_space<semaphore_mem>>) src(%dma_wait3A_331 : memref<57344x1024xf32, #tpu.memory_space<hbm>>) dst(%dma_wait3A_326 : memref<16x1024xf32, #tpu.memory_space<vmem>>)
    %add3A_332 = arith.constant 80 : i32
    %add3A_333 = arith.addi %mul3A_2, %add3A_332 : i32
    %dma_start3A_334 = arith.constant 5 : i32
    %dma_start3A_335 = arith.constant 0 : i32
    %dma_start3A_336 = arith.constant 0 : i32
    %dma_start3A_337 = arith.constant 0 : i32
    %dma_start3A_338 = tpu.memref_slice %arg8[%dma_start3A_334, %dma_start3A_336, %dma_start3A_337] : memref<6x16x1024xf32, #tpu.memory_space<vmem>> -> memref<1x16x1024xf32, #tpu.memory_space<vmem>>
    %dma_start3A_339 = tpu.memref_squeeze %dma_start3A_338 : memref<1x16x1024xf32, #tpu.memory_space<vmem>> -> memref<16x1024xf32, #tpu.memory_space<vmem>>
    %dma_start3A_340 = arith.constant 0 : i32
    %dma_start3A_341 = tpu.memref_slice %arg5[%add3A_333, %dma_start3A_335, %dma_start3A_340] : memref<4096x1x1024xf32, #tpu.memory_space<hbm>> -> memref<16x1x1024xf32, #tpu.memory_space<hbm>>
    %dma_start3A_342 = tpu.memref_squeeze %dma_start3A_341 : memref<16x1x1024xf32, #tpu.memory_space<hbm>> -> memref<16x1024xf32, #tpu.memory_space<hbm>>
    %dma_start3A_343 = arith.constant 0 : i32
    %dma_start3A_344 = tpu.memref_slice %arg5[%add3A_333, %dma_start3A_335, %dma_start3A_343] : memref<4096x1x1024xf32, #tpu.memory_space<hbm>> -> memref<16x1x1024xf32, #tpu.memory_space<hbm>>
    %dma_start3A_345 = tpu.memref_squeeze %dma_start3A_344 : memref<16x1x1024xf32, #tpu.memory_space<hbm>> -> memref<16x1024xf32, #tpu.memory_space<hbm>>
    %dma_start3A_346 = arith.constant 0 : i32
    %dma_start3A_347 = arith.constant 0 : i32
    %dma_start3A_348 = tpu.memref_slice %arg8[%dma_start3A_334, %dma_start3A_346, %dma_start3A_347] : memref<6x16x1024xf32, #tpu.memory_space<vmem>> -> memref<1x16x1024xf32, #tpu.memory_space<vmem>>
    %dma_start3A_349 = tpu.memref_squeeze %dma_start3A_348 : memref<1x16x1024xf32, #tpu.memory_space<vmem>> -> memref<16x1024xf32, #tpu.memory_space<vmem>>
    tpu.enqueue_dma source(%dma_start3A_349 : memref<16x1024xf32, #tpu.memory_space<vmem>>) target(%dma_start3A_345 : memref<16x1024xf32, #tpu.memory_space<hbm>>) target_semaphore(%arg20 : memref<!tpu.dma_semaphore, #tpu.memory_space<semaphore_mem>>)
    %dma_wait3A_350 = arith.constant 0 : i32
    %dma_wait3A_351 = arith.constant 0 : i32
    %dma_wait3A_352 = arith.constant 0 : i32
    %dma_wait3A_353 = tpu.memref_slice %arg8[%dma_wait3A_350, %dma_wait3A_351, %dma_wait3A_352] : memref<6x16x1024xf32, #tpu.memory_space<vmem>> -> memref<1x16x1024xf32, #tpu.memory_space<vmem>>
    %dma_wait3A_354 = tpu.memref_squeeze %dma_wait3A_353 : memref<1x16x1024xf32, #tpu.memory_space<vmem>> -> memref<16x1024xf32, #tpu.memory_space<vmem>>
    %dma_wait3A_355 = arith.constant 96 : i32
    %dma_wait3A_356 = tpu.memref_slice %arg7[%dma_wait3A_355] : memref<128xi32, #tpu.memory_space<vmem>> -> memref<16xi32, #tpu.memory_space<vmem>>
    %dma_wait3A_357 = arith.constant 0 : i32
    %dma_wait3A_358 = arith.constant 0 : i32
    %dma_wait3A_359 = tpu.memref_slice %arg2[%dma_wait3A_357, %dma_wait3A_358] : memref<57344x1024xf32, #tpu.memory_space<hbm>> -> memref<57344x1024xf32, #tpu.memory_space<hbm>>
    tpu.wait_indirect_dma semaphore(%arg9 : memref<!tpu.dma_semaphore, #tpu.memory_space<semaphore_mem>>) src(%dma_wait3A_359 : memref<57344x1024xf32, #tpu.memory_space<hbm>>) dst(%dma_wait3A_354 : memref<16x1024xf32, #tpu.memory_space<vmem>>)
    %add3A_360 = arith.constant 96 : i32
    %add3A_361 = arith.addi %mul3A_2, %add3A_360 : i32
    %dma_start3A_362 = arith.constant 0 : i32
    %dma_start3A_363 = arith.constant 0 : i32
    %dma_start3A_364 = arith.constant 0 : i32
    %dma_start3A_365 = arith.constant 0 : i32
    %dma_start3A_366 = tpu.memref_slice %arg8[%dma_start3A_362, %dma_start3A_364, %dma_start3A_365] : memref<6x16x1024xf32, #tpu.memory_space<vmem>> -> memref<1x16x1024xf32, #tpu.memory_space<vmem>>
    %dma_start3A_367 = tpu.memref_squeeze %dma_start3A_366 : memref<1x16x1024xf32, #tpu.memory_space<vmem>> -> memref<16x1024xf32, #tpu.memory_space<vmem>>
    %dma_start3A_368 = arith.constant 0 : i32
    %dma_start3A_369 = tpu.memref_slice %arg5[%add3A_361, %dma_start3A_363, %dma_start3A_368] : memref<4096x1x1024xf32, #tpu.memory_space<hbm>> -> memref<16x1x1024xf32, #tpu.memory_space<hbm>>
    %dma_start3A_370 = tpu.memref_squeeze %dma_start3A_369 : memref<16x1x1024xf32, #tpu.memory_space<hbm>> -> memref<16x1024xf32, #tpu.memory_space<hbm>>
    %dma_start3A_371 = arith.constant 0 : i32
    %dma_start3A_372 = tpu.memref_slice %arg5[%add3A_361, %dma_start3A_363, %dma_start3A_371] : memref<4096x1x1024xf32, #tpu.memory_space<hbm>> -> memref<16x1x1024xf32, #tpu.memory_space<hbm>>
    %dma_start3A_373 = tpu.memref_squeeze %dma_start3A_372 : memref<16x1x1024xf32, #tpu.memory_space<hbm>> -> memref<16x1024xf32, #tpu.memory_space<hbm>>
    %dma_start3A_374 = arith.constant 0 : i32
    %dma_start3A_375 = arith.constant 0 : i32
    %dma_start3A_376 = tpu.memref_slice %arg8[%dma_start3A_362, %dma_start3A_374, %dma_start3A_375] : memref<6x16x1024xf32, #tpu.memory_space<vmem>> -> memref<1x16x1024xf32, #tpu.memory_space<vmem>>
    %dma_start3A_377 = tpu.memref_squeeze %dma_start3A_376 : memref<1x16x1024xf32, #tpu.memory_space<vmem>> -> memref<16x1024xf32, #tpu.memory_space<vmem>>
    tpu.enqueue_dma source(%dma_start3A_377 : memref<16x1024xf32, #tpu.memory_space<vmem>>) target(%dma_start3A_373 : memref<16x1024xf32, #tpu.memory_space<hbm>>) target_semaphore(%arg15 : memref<!tpu.dma_semaphore, #tpu.memory_space<semaphore_mem>>)
    %dma_wait3A_378 = arith.constant 1 : i32
    %dma_wait3A_379 = arith.constant 0 : i32
    %dma_wait3A_380 = arith.constant 0 : i32
    %dma_wait3A_381 = tpu.memref_slice %arg8[%dma_wait3A_378, %dma_wait3A_379, %dma_wait3A_380] : memref<6x16x1024xf32, #tpu.memory_space<vmem>> -> memref<1x16x1024xf32, #tpu.memory_space<vmem>>
    %dma_wait3A_382 = tpu.memref_squeeze %dma_wait3A_381 : memref<1x16x1024xf32, #tpu.memory_space<vmem>> -> memref<16x1024xf32, #tpu.memory_space<vmem>>
    %dma_wait3A_383 = arith.constant 112 : i32
    %dma_wait3A_384 = tpu.memref_slice %arg7[%dma_wait3A_383] : memref<128xi32, #tpu.memory_space<vmem>> -> memref<16xi32, #tpu.memory_space<vmem>>
    %dma_wait3A_385 = arith.constant 0 : i32
    %dma_wait3A_386 = arith.constant 0 : i32
    %dma_wait3A_387 = tpu.memref_slice %arg2[%dma_wait3A_385, %dma_wait3A_386] : memref<57344x1024xf32, #tpu.memory_space<hbm>> -> memref<57344x1024xf32, #tpu.memory_space<hbm>>
    tpu.wait_indirect_dma semaphore(%arg10 : memref<!tpu.dma_semaphore, #tpu.memory_space<semaphore_mem>>) src(%dma_wait3A_387 : memref<57344x1024xf32, #tpu.memory_space<hbm>>) dst(%dma_wait3A_382 : memref<16x1024xf32, #tpu.memory_space<vmem>>)
    %add3A_388 = arith.constant 112 : i32
    %add3A_389 = arith.addi %mul3A_2, %add3A_388 : i32
    %dma_start3A_390 = arith.constant 1 : i32
    %dma_start3A_391 = arith.constant 0 : i32
    %dma_start3A_392 = arith.constant 0 : i32
    %dma_start3A_393 = arith.constant 0 : i32
    %dma_start3A_394 = tpu.memref_slice %arg8[%dma_start3A_390, %dma_start3A_392, %dma_start3A_393] : memref<6x16x1024xf32, #tpu.memory_space<vmem>> -> memref<1x16x1024xf32, #tpu.memory_space<vmem>>
    %dma_start3A_395 = tpu.memref_squeeze %dma_start3A_394 : memref<1x16x1024xf32, #tpu.memory_space<vmem>> -> memref<16x1024xf32, #tpu.memory_space<vmem>>
    %dma_start3A_396 = arith.constant 0 : i32
    %dma_start3A_397 = tpu.memref_slice %arg5[%add3A_389, %dma_start3A_391, %dma_start3A_396] : memref<4096x1x1024xf32, #tpu.memory_space<hbm>> -> memref<16x1x1024xf32, #tpu.memory_space<hbm>>
    %dma_start3A_398 = tpu.memref_squeeze %dma_start3A_397 : memref<16x1x1024xf32, #tpu.memory_space<hbm>> -> memref<16x1024xf32, #tpu.memory_space<hbm>>
    %dma_start3A_399 = arith.constant 0 : i32
    %dma_start3A_400 = tpu.memref_slice %arg5[%add3A_389, %dma_start3A_391, %dma_start3A_399] : memref<4096x1x1024xf32, #tpu.memory_space<hbm>> -> memref<16x1x1024xf32, #tpu.memory_space<hbm>>
    %dma_start3A_401 = tpu.memref_squeeze %dma_start3A_400 : memref<16x1x1024xf32, #tpu.memory_space<hbm>> -> memref<16x1024xf32, #tpu.memory_space<hbm>>
    %dma_start3A_402 = arith.constant 0 : i32
    %dma_start3A_403 = arith.constant 0 : i32
    %dma_start3A_404 = tpu.memref_slice %arg8[%dma_start3A_390, %dma_start3A_402, %dma_start3A_403] : memref<6x16x1024xf32, #tpu.memory_space<vmem>> -> memref<1x16x1024xf32, #tpu.memory_space<vmem>>
    %dma_start3A_405 = tpu.memref_squeeze %dma_start3A_404 : memref<1x16x1024xf32, #tpu.memory_space<vmem>> -> memref<16x1024xf32, #tpu.memory_space<vmem>>
    tpu.enqueue_dma source(%dma_start3A_405 : memref<16x1024xf32, #tpu.memory_space<vmem>>) target(%dma_start3A_401 : memref<16x1024xf32, #tpu.memory_space<hbm>>) target_semaphore(%arg16 : memref<!tpu.dma_semaphore, #tpu.memory_space<semaphore_mem>>)
    %dma_wait3A_406 = arith.constant 2 : i32
    %dma_wait3A_407 = arith.constant 0 : i32
    %dma_wait3A_408 = arith.constant 0 : i32
    %dma_wait3A_409 = arith.constant 0 : i32
    %dma_wait3A_410 = tpu.memref_slice %arg8[%dma_wait3A_406, %dma_wait3A_408, %dma_wait3A_409] : memref<6x16x1024xf32, #tpu.memory_space<vmem>> -> memref<1x16x1024xf32, #tpu.memory_space<vmem>>
    %dma_wait3A_411 = tpu.memref_squeeze %dma_wait3A_410 : memref<1x16x1024xf32, #tpu.memory_space<vmem>> -> memref<16x1024xf32, #tpu.memory_space<vmem>>
    %dma_wait3A_412 = arith.constant 0 : i32
    %dma_wait3A_413 = tpu.memref_slice %arg5[%add3A_249, %dma_wait3A_407, %dma_wait3A_412] : memref<4096x1x1024xf32, #tpu.memory_space<hbm>> -> memref<16x1x1024xf32, #tpu.memory_space<hbm>>
    %dma_wait3A_414 = tpu.memref_squeeze %dma_wait3A_413 : memref<16x1x1024xf32, #tpu.memory_space<hbm>> -> memref<16x1024xf32, #tpu.memory_space<hbm>>
    %dma_wait3A_415 = arith.constant 0 : i32
    %dma_wait3A_416 = tpu.memref_slice %arg5[%add3A_249, %dma_wait3A_407, %dma_wait3A_415] : memref<4096x1x1024xf32, #tpu.memory_space<hbm>> -> memref<16x1x1024xf32, #tpu.memory_space<hbm>>
    %dma_wait3A_417 = tpu.memref_squeeze %dma_wait3A_416 : memref<16x1x1024xf32, #tpu.memory_space<hbm>> -> memref<16x1024xf32, #tpu.memory_space<hbm>>
    %dma_wait3A_418 = arith.constant 0 : i32
    %dma_wait3A_419 = arith.constant 0 : i32
    %dma_wait3A_420 = tpu.memref_slice %arg8[%dma_wait3A_406, %dma_wait3A_418, %dma_wait3A_419] : memref<6x16x1024xf32, #tpu.memory_space<vmem>> -> memref<1x16x1024xf32, #tpu.memory_space<vmem>>
    %dma_wait3A_421 = tpu.memref_squeeze %dma_wait3A_420 : memref<1x16x1024xf32, #tpu.memory_space<vmem>> -> memref<16x1024xf32, #tpu.memory_space<vmem>>
    tpu.wait_dma2 semaphore(%arg17 : memref<!tpu.dma_semaphore, #tpu.memory_space<semaphore_mem>>) src(%dma_wait3A_421 : memref<16x1024xf32, #tpu.memory_space<vmem>>) dst(%dma_wait3A_417 : memref<16x1024xf32, #tpu.memory_space<hbm>>)
    %dma_wait3A_422 = arith.constant 3 : i32
    %dma_wait3A_423 = arith.constant 0 : i32
    %dma_wait3A_424 = arith.constant 0 : i32
    %dma_wait3A_425 = arith.constant 0 : i32
    %dma_wait3A_426 = tpu.memref_slice %arg8[%dma_wait3A_422, %dma_wait3A_424, %dma_wait3A_425] : memref<6x16x1024xf32, #tpu.memory_space<vmem>> -> memref<1x16x1024xf32, #tpu.memory_space<vmem>>
    %dma_wait3A_427 = tpu.memref_squeeze %dma_wait3A_426 : memref<1x16x1024xf32, #tpu.memory_space<vmem>> -> memref<16x1024xf32, #tpu.memory_space<vmem>>
    %dma_wait3A_428 = arith.constant 0 : i32
    %dma_wait3A_429 = tpu.memref_slice %arg5[%add3A_277, %dma_wait3A_423, %dma_wait3A_428] : memref<4096x1x1024xf32, #tpu.memory_space<hbm>> -> memref<16x1x1024xf32, #tpu.memory_space<hbm>>
    %dma_wait3A_430 = tpu.memref_squeeze %dma_wait3A_429 : memref<16x1x1024xf32, #tpu.memory_space<hbm>> -> memref<16x1024xf32, #tpu.memory_space<hbm>>
    %dma_wait3A_431 = arith.constant 0 : i32
    %dma_wait3A_432 = tpu.memref_slice %arg5[%add3A_277, %dma_wait3A_423, %dma_wait3A_431] : memref<4096x1x1024xf32, #tpu.memory_space<hbm>> -> memref<16x1x1024xf32, #tpu.memory_space<hbm>>
    %dma_wait3A_433 = tpu.memref_squeeze %dma_wait3A_432 : memref<16x1x1024xf32, #tpu.memory_space<hbm>> -> memref<16x1024xf32, #tpu.memory_space<hbm>>
    %dma_wait3A_434 = arith.constant 0 : i32
    %dma_wait3A_435 = arith.constant 0 : i32
    %dma_wait3A_436 = tpu.memref_slice %arg8[%dma_wait3A_422, %dma_wait3A_434, %dma_wait3A_435] : memref<6x16x1024xf32, #tpu.memory_space<vmem>> -> memref<1x16x1024xf32, #tpu.memory_space<vmem>>
    %dma_wait3A_437 = tpu.memref_squeeze %dma_wait3A_436 : memref<1x16x1024xf32, #tpu.memory_space<vmem>> -> memref<16x1024xf32, #tpu.memory_space<vmem>>
    tpu.wait_dma2 semaphore(%arg18 : memref<!tpu.dma_semaphore, #tpu.memory_space<semaphore_mem>>) src(%dma_wait3A_437 : memref<16x1024xf32, #tpu.memory_space<vmem>>) dst(%dma_wait3A_433 : memref<16x1024xf32, #tpu.memory_space<hbm>>)
    %dma_wait3A_438 = arith.constant 4 : i32
    %dma_wait3A_439 = arith.constant 0 : i32
    %dma_wait3A_440 = arith.constant 0 : i32
    %dma_wait3A_441 = arith.constant 0 : i32
    %dma_wait3A_442 = tpu.memref_slice %arg8[%dma_wait3A_438, %dma_wait3A_440, %dma_wait3A_441] : memref<6x16x1024xf32, #tpu.memory_space<vmem>> -> memref<1x16x1024xf32, #tpu.memory_space<vmem>>
    %dma_wait3A_443 = tpu.memref_squeeze %dma_wait3A_442 : memref<1x16x1024xf32, #tpu.memory_space<vmem>> -> memref<16x1024xf32, #tpu.memory_space<vmem>>
    %dma_wait3A_444 = arith.constant 0 : i32
    %dma_wait3A_445 = tpu.memref_slice %arg5[%add3A_305, %dma_wait3A_439, %dma_wait3A_444] : memref<4096x1x1024xf32, #tpu.memory_space<hbm>> -> memref<16x1x1024xf32, #tpu.memory_space<hbm>>
    %dma_wait3A_446 = tpu.memref_squeeze %dma_wait3A_445 : memref<16x1x1024xf32, #tpu.memory_space<hbm>> -> memref<16x1024xf32, #tpu.memory_space<hbm>>
    %dma_wait3A_447 = arith.constant 0 : i32
    %dma_wait3A_448 = tpu.memref_slice %arg5[%add3A_305, %dma_wait3A_439, %dma_wait3A_447] : memref<4096x1x1024xf32, #tpu.memory_space<hbm>> -> memref<16x1x1024xf32, #tpu.memory_space<hbm>>
    %dma_wait3A_449 = tpu.memref_squeeze %dma_wait3A_448 : memref<16x1x1024xf32, #tpu.memory_space<hbm>> -> memref<16x1024xf32, #tpu.memory_space<hbm>>
    %dma_wait3A_450 = arith.constant 0 : i32
    %dma_wait3A_451 = arith.constant 0 : i32
    %dma_wait3A_452 = tpu.memref_slice %arg8[%dma_wait3A_438, %dma_wait3A_450, %dma_wait3A_451] : memref<6x16x1024xf32, #tpu.memory_space<vmem>> -> memref<1x16x1024xf32, #tpu.memory_space<vmem>>
    %dma_wait3A_453 = tpu.memref_squeeze %dma_wait3A_452 : memref<1x16x1024xf32, #tpu.memory_space<vmem>> -> memref<16x1024xf32, #tpu.memory_space<vmem>>
    tpu.wait_dma2 semaphore(%arg19 : memref<!tpu.dma_semaphore, #tpu.memory_space<semaphore_mem>>) src(%dma_wait3A_453 : memref<16x1024xf32, #tpu.memory_space<vmem>>) dst(%dma_wait3A_449 : memref<16x1024xf32, #tpu.memory_space<hbm>>)
    %dma_wait3A_454 = arith.constant 5 : i32
    %dma_wait3A_455 = arith.constant 0 : i32
    %dma_wait3A_456 = arith.constant 0 : i32
    %dma_wait3A_457 = arith.constant 0 : i32
    %dma_wait3A_458 = tpu.memref_slice %arg8[%dma_wait3A_454, %dma_wait3A_456, %dma_wait3A_457] : memref<6x16x1024xf32, #tpu.memory_space<vmem>> -> memref<1x16x1024xf32, #tpu.memory_space<vmem>>
    %dma_wait3A_459 = tpu.memref_squeeze %dma_wait3A_458 : memref<1x16x1024xf32, #tpu.memory_space<vmem>> -> memref<16x1024xf32, #tpu.memory_space<vmem>>
    %dma_wait3A_460 = arith.constant 0 : i32
    %dma_wait3A_461 = tpu.memref_slice %arg5[%add3A_333, %dma_wait3A_455, %dma_wait3A_460] : memref<4096x1x1024xf32, #tpu.memory_space<hbm>> -> memref<16x1x1024xf32, #tpu.memory_space<hbm>>
    %dma_wait3A_462 = tpu.memref_squeeze %dma_wait3A_461 : memref<16x1x1024xf32, #tpu.memory_space<hbm>> -> memref<16x1024xf32, #tpu.memory_space<hbm>>
    %dma_wait3A_463 = arith.constant 0 : i32
    %dma_wait3A_464 = tpu.memref_slice %arg5[%add3A_333, %dma_wait3A_455, %dma_wait3A_463] : memref<4096x1x1024xf32, #tpu.memory_space<hbm>> -> memref<16x1x1024xf32, #tpu.memory_space<hbm>>
    %dma_wait3A_465 = tpu.memref_squeeze %dma_wait3A_464 : memref<16x1x1024xf32, #tpu.memory_space<hbm>> -> memref<16x1024xf32, #tpu.memory_space<hbm>>
    %dma_wait3A_466 = arith.constant 0 : i32
    %dma_wait3A_467 = arith.constant 0 : i32
    %dma_wait3A_468 = tpu.memref_slice %arg8[%dma_wait3A_454, %dma_wait3A_466, %dma_wait3A_467] : memref<6x16x1024xf32, #tpu.memory_space<vmem>> -> memref<1x16x1024xf32, #tpu.memory_space<vmem>>
    %dma_wait3A_469 = tpu.memref_squeeze %dma_wait3A_468 : memref<1x16x1024xf32, #tpu.memory_space<vmem>> -> memref<16x1024xf32, #tpu.memory_space<vmem>>
    tpu.wait_dma2 semaphore(%arg20 : memref<!tpu.dma_semaphore, #tpu.memory_space<semaphore_mem>>) src(%dma_wait3A_469 : memref<16x1024xf32, #tpu.memory_space<vmem>>) dst(%dma_wait3A_465 : memref<16x1024xf32, #tpu.memory_space<hbm>>)
    %dma_wait3A_470 = arith.constant 0 : i32
    %dma_wait3A_471 = arith.constant 0 : i32
    %dma_wait3A_472 = arith.constant 0 : i32
    %dma_wait3A_473 = arith.constant 0 : i32
    %dma_wait3A_474 = tpu.memref_slice %arg8[%dma_wait3A_470, %dma_wait3A_472, %dma_wait3A_473] : memref<6x16x1024xf32, #tpu.memory_space<vmem>> -> memref<1x16x1024xf32, #tpu.memory_space<vmem>>
    %dma_wait3A_475 = tpu.memref_squeeze %dma_wait3A_474 : memref<1x16x1024xf32, #tpu.memory_space<vmem>> -> memref<16x1024xf32, #tpu.memory_space<vmem>>
    %dma_wait3A_476 = arith.constant 0 : i32
    %dma_wait3A_477 = tpu.memref_slice %arg5[%add3A_361, %dma_wait3A_471, %dma_wait3A_476] : memref<4096x1x1024xf32, #tpu.memory_space<hbm>> -> memref<16x1x1024xf32, #tpu.memory_space<hbm>>
    %dma_wait3A_478 = tpu.memref_squeeze %dma_wait3A_477 : memref<16x1x1024xf32, #tpu.memory_space<hbm>> -> memref<16x1024xf32, #tpu.memory_space<hbm>>
    %dma_wait3A_479 = arith.constant 0 : i32
    %dma_wait3A_480 = tpu.memref_slice %arg5[%add3A_361, %dma_wait3A_471, %dma_wait3A_479] : memref<4096x1x1024xf32, #tpu.memory_space<hbm>> -> memref<16x1x1024xf32, #tpu.memory_space<hbm>>
    %dma_wait3A_481 = tpu.memref_squeeze %dma_wait3A_480 : memref<16x1x1024xf32, #tpu.memory_space<hbm>> -> memref<16x1024xf32, #tpu.memory_space<hbm>>
    %dma_wait3A_482 = arith.constant 0 : i32
    %dma_wait3A_483 = arith.constant 0 : i32
    %dma_wait3A_484 = tpu.memref_slice %arg8[%dma_wait3A_470, %dma_wait3A_482, %dma_wait3A_483] : memref<6x16x1024xf32, #tpu.memory_space<vmem>> -> memref<1x16x1024xf32, #tpu.memory_space<vmem>>
    %dma_wait3A_485 = tpu.memref_squeeze %dma_wait3A_484 : memref<1x16x1024xf32, #tpu.memory_space<vmem>> -> memref<16x1024xf32, #tpu.memory_space<vmem>>
    tpu.wait_dma2 semaphore(%arg15 : memref<!tpu.dma_semaphore, #tpu.memory_space<semaphore_mem>>) src(%dma_wait3A_485 : memref<16x1024xf32, #tpu.memory_space<vmem>>) dst(%dma_wait3A_481 : memref<16x1024xf32, #tpu.memory_space<hbm>>)
    %dma_wait3A_486 = arith.constant 1 : i32
    %dma_wait3A_487 = arith.constant 0 : i32
    %dma_wait3A_488 = arith.constant 0 : i32
    %dma_wait3A_489 = arith.constant 0 : i32
    %dma_wait3A_490 = tpu.memref_slice %arg8[%dma_wait3A_486, %dma_wait3A_488, %dma_wait3A_489] : memref<6x16x1024xf32, #tpu.memory_space<vmem>> -> memref<1x16x1024xf32, #tpu.memory_space<vmem>>
    %dma_wait3A_491 = tpu.memref_squeeze %dma_wait3A_490 : memref<1x16x1024xf32, #tpu.memory_space<vmem>> -> memref<16x1024xf32, #tpu.memory_space<vmem>>
    %dma_wait3A_492 = arith.constant 0 : i32
    %dma_wait3A_493 = tpu.memref_slice %arg5[%add3A_389, %dma_wait3A_487, %dma_wait3A_492] : memref<4096x1x1024xf32, #tpu.memory_space<hbm>> -> memref<16x1x1024xf32, #tpu.memory_space<hbm>>
    %dma_wait3A_494 = tpu.memref_squeeze %dma_wait3A_493 : memref<16x1x1024xf32, #tpu.memory_space<hbm>> -> memref<16x1024xf32, #tpu.memory_space<hbm>>
    %dma_wait3A_495 = arith.constant 0 : i32
    %dma_wait3A_496 = tpu.memref_slice %arg5[%add3A_389, %dma_wait3A_487, %dma_wait3A_495] : memref<4096x1x1024xf32, #tpu.memory_space<hbm>> -> memref<16x1x1024xf32, #tpu.memory_space<hbm>>
    %dma_wait3A_497 = tpu.memref_squeeze %dma_wait3A_496 : memref<16x1x1024xf32, #tpu.memory_space<hbm>> -> memref<16x1024xf32, #tpu.memory_space<hbm>>
    %dma_wait3A_498 = arith.constant 0 : i32
    %dma_wait3A_499 = arith.constant 0 : i32
    %dma_wait3A_500 = tpu.memref_slice %arg8[%dma_wait3A_486, %dma_wait3A_498, %dma_wait3A_499] : memref<6x16x1024xf32, #tpu.memory_space<vmem>> -> memref<1x16x1024xf32, #tpu.memory_space<vmem>>
    %dma_wait3A_501 = tpu.memref_squeeze %dma_wait3A_500 : memref<1x16x1024xf32, #tpu.memory_space<vmem>> -> memref<16x1024xf32, #tpu.memory_space<vmem>>
    tpu.wait_dma2 semaphore(%arg16 : memref<!tpu.dma_semaphore, #tpu.memory_space<semaphore_mem>>) src(%dma_wait3A_501 : memref<16x1024xf32, #tpu.memory_space<vmem>>) dst(%dma_wait3A_497 : memref<16x1024xf32, #tpu.memory_space<hbm>>)
    return
  }
}

</mosaic_0001>

<sc_bundles>
// kernel: kernel.3.cloned.1.call-start
scs
__scs_entry_jumppad:
0x0: {  	(pc) =	sbr.rel $0x88, $3  }
0x1: {  	(tag) =	ssettag $0x0;
	lr =	simm.s32 $0x1  }
0x2: {  	[smem:$0x3F9E] =	sst lr;
	_ =	strace $0xD0000000  }
0x3: {  	_ = 	snop  }
0x4: {  	_ = 	snop  }
0x5: {  	_ = 	snop  }
0x6: {  	_ = 	snop  }
0x7: {  	_ = 	snop  }
__scs_overlays_trampoline_lowered:
0x8: {  	[smem:$0x3FAD] =	sst s0  }
0x9: {  	[smem:$0x3FAE] =	sst s1  }
0xa: {  	[smem:$0x3FAF] =	sst s2  }
0xb: {  	[smem:$0x3FB0] =	sst s3  }
0xc: {  	[smem:$0x3FB1] =	sst s4  }
0xd: {  	[smem:$0x3FB2] =	sst s5  }
0xe: {  	[smem:$0x3FB3] =	sst s6  }
0xf: {  	[smem:$0x3FB4] =	sst s7  }
0x10: {  	[smem:$0x3FB5] =	sst s8  }
0x11: {  	[smem:$0x3FB6] =	sst s9;
	s0 =	simm.s32 @!p0 $0x0  }
0x12: {  	s1 =	sld [smem:$0x3F9C];
	s0 =	simm.s32 @p0 $0x1  }
0x13: {  	[smem:$0x3FB7] =	sst s0;
	s0 =	simm.s32 @!p1 $0x0  }
0x14: {  	s2 =	sld [smem:$0x3F9B];
	s0 =	simm.s32 @p1 $0x1  }
0x15: {  	[smem:$0x3FB8] =	sst s0;
	s0 =	simm.s32 @!p2 $0x0  }
0x16: {  	s3 =	sld [smem:$0x3FDB];
	s0 =	simm.s32 @p2 $0x1  }
0x17: {  	s4 =	simm.s32 $0x1BF5;
	[smem:$0x3FBA] =	sst s0  }
0x18: {  	s0 =	sld [smem:$0x3F9D];
	_ =	swait.ge [sflag:s4], $0x0  }
0x19: {  	s7 =	sld [smem:$0x3F9E]  }
0x1a: {  	s8 =	sadd.s32 $0xFFFFE003, lr  }
0x1b: {  	s9 =	sadd.s32 $0xFFFFFEF7, lr;
	s5 =	simm.s32 $0xFFFFFFFF;
	p2 =	slt.u32 s8, $0xFFFFF086  }
0x1c: {  	p1 =	slt.u32 s9, $0xF7A;
	s5 =	simm.s32 @!p2 $0x0  }
0x1d: {  	s5 =	simm.s32 @p1 $0x1;
	p0 =	seq.s32 s7, s2  }
0x1e: {  	s7 =	smul.u32 @!p0 $0xF7A, s2;
	p2 =	seq.s32 @!p0 s5, $0x0  }
0x1f: {  	s9 =	smul.u32 $0xF7A, s1;
	s8 =	simm.s32 @!p0 $0x1BF5;
	p2 =	por !p2, p0  }
0x20: {  	[sflag:s8] =	ssyncset.s32 @!p0 $0xFFFFF086;
	s6 =	sadd.s32 @!p0 s3, s7;
	s7 =	simm.s32 @!p0 $0x108  }
0x21: {  	s3 =	sadd.s32 s3, s9;
	s6 =	sadd.s32 @!p0 $0x88, s6;
	s7 =	simm.s32 @p2 $0x1082  }
0x22: {  	[simem:s7], [sflag:s8] =	dma.local @!p0 [hbm:s6], $0xF7A  }
0x23: {  	s9 =	sor.u32 $0xD0000000, s2;
	s6 =	simm.s32 $0x108;
	_ =	swait.ge @!p0 [sflag:s8], $0x0  }
0x24: {  	s3 =	sadd.s32 $0x88, s3;
	s6 =	simm.s32 @!p1 $0x1082;
	[sflag:s4] =	ssyncset.s32 $0xFFFFF086  }
0x25: {  	[simem:s6], [sflag:s4] =	dma.local [hbm:s3], $0xF7A  }
0x26: {  	[smem:$0x3F9E] =	sst s1;
	(tag) =	ssettag s2;
	_ =	strace s9  }
0x27: {  	s1 =	sld [smem:$0x3FAE]  }
0x28: {  	s2 =	sld [smem:$0x3FAF]  }
0x29: {  	s4 =	sld [smem:$0x3FB1]  }
0x2a: {  	p0 =	seq.s32 s5, $0x0;
	s5 =	sld [smem:$0x3FB2]  }
0x2b: {  	s6 =	sld [smem:$0x3FB3]  }
0x2c: {  	s7 =	sld [smem:$0x3FB4]  }
0x2d: {  	s3 =	simm.s32 $0x108;
	s8 =	sld [smem:$0x3FB5]  }
0x2e: {  	s3 =	simm.s32 @!p0 $0x1082;
	s9 =	sld [smem:$0x3FB6]  }
0x2f: {  	lr =	sadd.s32 s0, s3;
	s0 =	sld [smem:$0x3FAD]  }
0x30: {  	s3 =	sld [smem:$0x3FB0]  }
0x31: {  	[smem:$0x3FB9] =	sst s10  }
0x32: {  	s10 =	sld [smem:$0x3FB7];
	_ =	sdelay $0x3  }
0x33: {  	p0 =	seq.s32 s10, $0x1;
	s10 =	sld [smem:$0x3FB9];
	_ =	sdelay $0x3  }
0x34: {  	[smem:$0x3FB9] =	sst s10  }
0x35: {  	s10 =	sld [smem:$0x3FB8];
	_ =	sdelay $0x3  }
0x36: {  	p1 =	seq.s32 s10, $0x1;
	s10 =	sld [smem:$0x3FB9];
	_ =	sdelay $0x3  }
0x37: {  	[smem:$0x3FB9] =	sst s10  }
0x38: {  	s10 =	sld [smem:$0x3FBA]  }
0x39: {  	_ = 	snop;
	(pc) =	sbr.ind lr, $3  }
0x3a: {  	_ = 	snop  }
0x3b: {  	_ = 	snop  }
0x3c: {  	p2 =	seq.s32 s10, $0x1;
	s10 =	sld [smem:$0x3FB9]  }
0x3d: {  	_ =	shalt  }
0x3e: {  	_ =	shalt  }
0x3f: {  	_ =	shalt  }
0x40: {  	_ =	shalt  }
0x41: {  	_ =	shalt  }
0x42: {  	_ =	shalt  }
0x43: {  	_ =	shalt  }
0x44: {  	_ =	shalt  }
0x45: {  	_ =	shalt  }
0x46: {  	_ =	shalt  }
0x47: {  	_ =	shalt  }
0x48: {  	_ =	shalt  }
0x49: {  	_ =	shalt  }
0x4a: {  	_ =	shalt  }
0x4b: {  	_ =	shalt  }
0x4c: {  	_ =	shalt  }
0x4d: {  	_ =	shalt  }
0x4e: {  	_ =	shalt  }
0x4f: {  	_ =	shalt  }
0x50: {  	_ =	shalt  }
0x51: {  	_ =	shalt  }
0x52: {  	_ =	shalt  }
0x53: {  	_ =	shalt  }
0x54: {  	_ =	shalt  }
0x55: {  	_ =	shalt  }
0x56: {  	_ =	shalt  }
0x57: {  	_ =	shalt  }
0x58: {  	_ =	shalt  }
0x59: {  	_ =	shalt  }
0x5a: {  	_ =	shalt  }
0x5b: {  	_ =	shalt  }
0x5c: {  	_ =	shalt  }
0x5d: {  	_ =	shalt  }
0x5e: {  	_ =	shalt  }
0x5f: {  	_ =	shalt  }
0x60: {  	_ =	shalt  }
0x61: {  	_ =	shalt  }
0x62: {  	_ =	shalt  }
0x63: {  	_ =	shalt  }
0x64: {  	_ =	shalt  }
0x65: {  	_ =	shalt  }
0x66: {  	_ =	shalt  }
0x67: {  	_ =	shalt  }
0x68: {  	_ =	shalt  }
0x69: {  	_ =	shalt  }
0x6a: {  	_ =	shalt  }
0x6b: {  	_ =	shalt  }
0x6c: {  	_ =	shalt  }
0x6d: {  	_ =	shalt  }
0x6e: {  	_ =	shalt  }
0x6f: {  	_ =	shalt  }
0x70: {  	_ =	shalt  }
0x71: {  	_ =	shalt  }
0x72: {  	_ =	shalt  }
0x73: {  	_ =	shalt  }
0x74: {  	_ =	shalt  }
0x75: {  	_ =	shalt  }
0x76: {  	_ =	shalt  }
0x77: {  	_ =	shalt  }
0x78: {  	_ =	shalt  }
0x79: {  	_ =	shalt  }
0x7a: {  	_ =	shalt  }
0x7b: {  	_ =	shalt  }
0x7c: {  	_ =	shalt  }
0x7d: {  	_ =	shalt  }
0x7e: {  	_ =	shalt  }
0x7f: {  	_ =	shalt  }
0x80: {  	_ =	shalt  }
0x81: {  	_ =	shalt  }
0x82: {  	_ =	shalt  }
0x83: {  	_ =	shalt  }
0x84: {  	_ =	shalt  }
0x85: {  	_ =	shalt  }
0x86: {  	_ =	shalt  }
0x87: {  	_ =	shalt  }
.Lfunc_end0:
.L_simem_size_0:
called_computation_lowered:
.L_overlay_start_0:
0x88: {  	s2 =	sld [smem:$0x3FD9]  }
0x89: {  	s3 =	sld [smem:$0x3FFE];
	_ =	sdelay $0x1  }
0x8a: {  	s1 =	srdreg.scid  }
0x8b: {  	s0 =	sand.u32 $0x1, s1  }
0x8c: {  	s17 =	sshll.u32 s0, $0xA;
	s2 =	sadd.s32 s3, s2  }
0x8d: {  	s2 =	sadd.s32 s2, s17  }
0x8e: {  	[smem:$0x3FC5] =	sst s2  }
0x8f: {  	_ = 	snop  }
0x90: {  	s2 =	sld [smem:$0x3FC9]  }
0x91: {  	s18 =	sld [smem:$0x3FC8]  }
0x92: {  	s4 =	sld [smem:$0x3FD0];
	(tm) =	ssettm $0x1  }
0x93: {  	s5 =	sld [smem:$0x3FFB];
	_ =	sdelay $0x3  }
0x94: {  	_ =	strace s5  }
0x95: {  	s5 =	sld [smem:$0x3FFC];
	_ =	sdelay $0x3  }
0x96: {  	_ =	strace s5  }
0x97: {  	s5 =	sld [smem:$0x3FFD];
	_ =	sdelay $0x3  }
0x98: {  	_ =	strace s5  }
0x99: {  	_ =	strace $0x8FFFFFFF  }
0x9a: {  	s19 =	sld [smem:$0x3FDB];
	_ =	sdelay $0x1  }
0x9b: {  	s6 =	simm.s32 $_scs_section_size  }
0x9c: {  	s7 =	simm.s32 $_size__tile_overlayer_lowered;
	s8 =	simm.s32 $_tile_overlayer_lowered  }
0x9d: {  	s22 =	simm.s32 $0x1BFF;
	s21 =	sshll.u32 s8, $0x1;
	s5 =	sadd.s32 s6, s19  }
0x9e: {  	s9 =	simm.s32 $0x0;
	s20 =	sshll.u32 s7, $0x1;
	s7 =	sadd.s32 s21, s5  }
0x9f: {  	[timem:s9], [sflag:s22] =	dma.local [hbm:s7], s20  }
0xa0: {  	_ =	swait.ge [sflag:s22], s20  }
0xa1: {  	s6 =	ssub.s32 $0x0, s20;
	[sflag:s22] =	ssyncset.done $0x0  }
0xa2: {  	[sflag:s22] =	ssyncadd.s32 s6;
	_ =	sdelay $0x1  }
0xa3: {  	s23 =	simm.s32 $0x1B8B  }
0xa4: {  	_ =	swait.ge [sflag:s23], $0x1  }
0xa5: {  	[sflag:s23] =	ssyncset.done $0x0  }
0xa6: {  	s25 =	simm.s32 $0x1B8E;
	s24 =	sld [smem:$0x3FFE];
	[sflag:s23] =	ssyncadd.s32 $0xFFFFFFFF  }
0xa7: {  	s26 =	simm.s32 $execute0_lowered;
	[smem:$0x3FD2] =	sst s25  }
0xa8: {  	s7 =	sshll.u32 s26, $0x1;
	_ =	strace $0x80000046;
	[dreg:$0x1] =	wrdreg $0xFFFFFFFF  }
0xa9: {  	s28 =	simm.s32 $_size_execute0_lowered;
	s5 =	sadd.s32 s5, s7;
	[dreg:$0x0] =	wrdreg $0x0  }
0xaa: {  	s7 =	sshll.u32 s28, $0x1;
	[dreg:$0x2] =	wrdreg s5  }
0xab: {  	[dreg:$0x3] =	wrdreg s7  }
0xac: {  	[dreg:$0x4] =	wrdreg $0xC0  }
0xad: {  	_ =	task [dreg:s9], $0x5FFFF  }
0xae: {  	[dreg:$0x1] =	wrdreg $0xFFFFFFFF  }
0xaf: {  	[dreg:$0x0] =	wrdreg $0x60  }
0xb0: {  	[dreg:$0x2] =	wrdreg s2  }
0xb1: {  	[dreg:$0x3] =	wrdreg s18  }
0xb2: {  	[dreg:$0x4] =	wrdreg s24  }
0xb3: {  	[dreg:$0x5] =	wrdreg s4  }
0xb4: {  	[dreg:$0x6] =	wrdreg $0x9  }
0xb5: {  	_ =	task.clear_ibuf [dreg:s9], $0x7FFFF;
	_ =	strace $0x90000046  }
0xb6: {  	s29 =	simm.s32 $0x9;
	_ =	strace $0x80000048  }
0xb7: {  	_ =	swait.ge [sflag:s29], $0x1  }
0xb8: {  	[sflag:s29] =	ssyncadd.s32 $0xFFFFFFFF  }
0xb9: {  	_ =	strace $0x90000048  }
0xba: {  	_ =	sfence  }
0xbb: {  	s30 =	sld [smem:$0x0];
	_ =	sdelay $0x2  }
0xbc: {  	s31 =	sshll.u32 s1, $0xD;
	s1 =	sshrl.u32 s1, $0x2  }
0xbd: {  	s3 =	sand.u32 $0x4000, s31;
	s1 =	sadd.s32 s1, s30  }
0xbe: {  	s0 =	sor.u32 s3, s0;
	s1 =	sshll.u32 s1, $0x11  }
0xbf: {  	s0 =	sor.u32 s1, s0  }
0xc0: {  	s0 =	sadd.s32 $0x8F2B, s0  }
0xc1: {  	[sflag:s0] =	ssyncadd.remote.s32 $0x1  }
0xc2: {  	_ =	sfence.sel $0xFFFF  }
0xc3: {  	[dreg:$0x0] =	wrdreg $0xFFFFFFFF;
	(pc) =	sbr.abs _section_cstart, $3  }
0xc4: {  	[dreg:$0x1] =	wrdreg $0xFFFFFFFF  }
0xc5: {  	_ =	task.clear_ibuf [dreg:s9], $0x2FFFF;
	_ =	strace $0x9FFFFFFF  }
0xc6: {  	(tm) =	ssettm $0x7FFFFFFF  }
0xc7: {  	_ =	shalt  }
tec
execute0_lowered:
.L_overlay_start_1:
0x0: {  	(tag) =	ssettag $0x1  }
0x1: {  	s1 =	rddreg [dreg:$0x0]  }
0x2: {  	s0 =	rddreg [dreg:$0x1]  }
0x3: {  	s2 =	rddreg [dreg:$0x2];
	s3 =	srdreg.scid  }
0x4: {  	s7 =	rddreg [dreg:$0x3];
	s4 =	sand.u32 $0x1, s3;
	s3 =	simm.s32 $0x0  }
0x5: {  	s2 =	sadd.s32 $0x400, s2;
	[smem:$0x7FF] =	sst s3  }
0x6: {  	s20 =	simm.s32 $0x8500;
	_ =	strace $0x80000047;
	[dreg:$0x5] =	wrdreg s2  }
0x7: {  	s21 =	simm.s32 $0x8D00;
	[dreg:$0x7] =	wrdreg s20  }
0x8: {  	s22 =	simm.s32 $0x9500;
	[dreg:$0x8] =	wrdreg s21  }
0x9: {  	s23 =	simm.s32 $0x9D00;
	[dreg:$0x9] =	wrdreg s22  }
0xa: {  	s24 =	simm.s32 $0xA500;
	[dreg:$0xa] =	wrdreg s23  }
0xb: {  	s25 =	simm.s32 $0xAD00;
	[dreg:$0xb] =	wrdreg s24  }
0xc: {  	s26 =	simm.s32 $0xB500;
	[dreg:$0xc] =	wrdreg s25  }
0xd: {  	s28 =	simm.s32 $0xBD00;
	[dreg:$0xd] =	wrdreg s26  }
0xe: {  	s30 =	simm.s32 $0xC500;
	[dreg:$0xe] =	wrdreg s28  }
0xf: {  	s9 =	simm.s32 $0xDD00;
	[dreg:$0xf] =	wrdreg s30  }
0x10: {  	s10 =	simm.s32 $0xE500;
	[dreg:$0x12] =	wrdreg s9  }
0x11: {  	s11 =	simm.s32 $0xED00;
	[dreg:$0x13] =	wrdreg s10  }
0x12: {  	s12 =	simm.s32 $0xF500;
	[dreg:$0x14] =	wrdreg s11  }
0x13: {  	s13 =	simm.s32 $0xFD00;
	[dreg:$0x15] =	wrdreg s12  }
0x14: {  	s14 =	simm.s32 $0x10500;
	[dreg:$0x16] =	wrdreg s13  }
0x15: {  	s15 =	simm.s32 $0x10D00;
	[dreg:$0x17] =	wrdreg s14  }
0x16: {  	s5 =	stileid.u32;
	s16 =	simm.s32 $0x11500;
	[dreg:$0x18] =	wrdreg s15  }
0x17: {  	s17 =	simm.s32 $0x11D00;
	s18 =	simm.s32 $0x12500;
	[dreg:$0x19] =	wrdreg s16  }
0x18: {  	s19 =	simm.s32 $0x12D00;
	s31 =	simm.s32 $0x2;
	[dreg:$0x1a] =	wrdreg s17  }
0x19: {  	s5 =	sshll.u32 s5, $0x8;
	s6 =	sshll.u32 s4, $0x7;
	[dreg:$0x1b] =	wrdreg s18  }
0x1a: {  	s8 =	sor.u32 s6, s5;
	s6 =	simm.s32 $0xD500;
	[dreg:$0x1c] =	wrdreg s19  }
0x1b: {  	s29 =	ssub.s32 $0x2, s4;
	s20 =	simm.s32 $0x13500;
	[dreg:$0x11] =	wrdreg s6  }
0x1c: {  	s4 =	sshrl.u32 s29, $0x1;
	s21 =	simm.s32 $0x13D00;
	[dreg:$0x1d] =	wrdreg s20  }
0x1d: {  	s16 =	simm.s32 $0x80;
	s22 =	simm.s32 $0x14500;
	[dreg:$0x1e] =	wrdreg s21  }
0x1e: {  	s23 =	simm.s32 $0x14D00;
	s24 =	simm.s32 $0x15500;
	[dreg:$0x1f] =	wrdreg s22  }
0x1f: {  	s25 =	simm.s32 $0x15D00;
	s26 =	simm.s32 $0x16500;
	[smem:$0x7F7] =	sst s23  }
0x20: {  	s28 =	simm.s32 $0x16D00;
	s30 =	simm.s32 $0x17D00;
	[smem:$0x7F8] =	sst s24  }
0x21: {  	s15 =	simm.s32 $0x1;
	s5 =	sshrl.u32 s8, $0x3;
	[smem:$0x7F9] =	sst s25  }
0x22: {  	s2 =	ssub.s32 s29, s4;
	s4 =	sadd.s32 $0x100, s1;
	[smem:$0x7FA] =	sst s26  }
0x23: {  	s6 =	sadd.s32 $0x300, s1;
	s8 =	sshll.u32 s8, $0x7;
	[smem:$0x7FB] =	sst s28  }
0x24: {  	s29 =	simm.s32 $0x17500;
	[smem:$0x7FD] =	sst s30;
	s20 =	simm.s32 $0x400  }
0x25: {  	s0 =	sadd.s32 s0, s5;
	s5 =	simm.s32 $0xCD00;
	[smem:$0x7FC] =	sst s29  }
0x26: {  	s7 =	sadd.s32 s7, s8;
	s2 =	smax.u32 s2, $0x1;
	[dreg:$0x6] =	wrdreg s0  }
0x27: {  	v2 =	vlaneseq.u32;
	[dreg:$0x10] =	wrdreg s5;
	s5 =	sadd.s32 $0x200, s1;
	s8 =	sadd.s32 $0x800, s7  }
0x28: {  	vm0 =	vmmov $0xffff;
	v1 =	vshrl.u32 v2, $0x3;
	s9 =	sadd.s32 $0x1000, s7;
	s10 =	sadd.s32 $0x1800, s7;
	s11 =	sadd.s32 $0x2000, s7  }
0x29: {  	v0 =	vand.u32 $0x7, v2;
	v2 =	vor.u32 $0x8, v2;
	v1 =	vmul.u32 $0x8, v1;
	s12 =	sadd.s32 $0x2800, s7;
	s13 =	sadd.s32 $0x3000, s7;
	s14 =	sadd.s32 $0x3800, s7  }
.LBB2_1:
0x2a: {  	s24 =	rddreg [dreg:$0x6]  }
0x2b: {  	[tilespmem:s16], [sflag:$0x1] =	stream.linear.gather [hbm4b:s24+s3], $0x80, $0x38;
	[tilespmem:$0x18100] =	vst v63  }
0x2c: {  	s25 =	rddreg [dreg:$0x5];
	s23 =	simm.s32 $0xD  }
0x2d: {  	[tilespmem:s3], [sflag:$0xD] =	stream.linear.gather [hbm4b:s25+s3], $0x80, $0x38;
	[tilespmem:$0x18100] =	vst v63  }
0x2e: {  	_ =	swait.ge [sflag:s23], $0x80  }
0x2f: {  	[sflag:s23] =	ssyncset.done $0x0  }
0x30: {  	[sflag:s23] =	ssyncadd.s32 $0xFFFFFF80  }
0x31: {  	v3 =	vld [tilespmem:$0x0];
	_ =	swait.ge [sflag:s15], $0x80  }
0x32: {  	[sflag:s15] =	ssyncset.done $0x0  }
0x33: {  	[sflag:s15] =	ssyncadd.s32 $0xFFFFFF80  }
0x34: {  	v4 =	vld [tilespmem:$0x80];
	_ =	sdelay $0x2  }
0x35: {  	v5 =	vld [tilespmem:$0x90]  }
0x36: {  	v6 =	vld [tilespmem:$0xA0]  }
0x37: {  	v7 =	vld [tilespmem:$0xB0];
	v4 =	vadd.s32 v3, v4  }
0x38: {  	v8 =	vld [tilespmem:$0xC0];
	v9 =	vshll.u32 v4, $0x3  }
0x39: {  	v10 =	vld [tilespmem:$0xD0];
	v11 =	vand.u32 $0x7, v4;
	v9 =	vand.u32 $0xFFFFFFC0, v9  }
0x3a: {  	v49 =	vld [tilespmem:$0xE0];
	v48 =	vadd.s32 v3, v5;
	[tilespmem:$0x80] =	vst v4;
	v9 =	vor.u32 v11, v9  }
0x3b: {  	v51 =	vld [tilespmem:$0xF0];
	v50 =	vadd.s32 v3, v6;
	[tilespmem:$0x90] =	vst v48;
	v11 =	vperm.xlane v9, v0  }
0x3c: {  	v52 =	vadd.s32 v3, v7;
	[tilespmem:$0xA0] =	vst v50  }
0x3d: {  	v53 =	vadd.s32 v3, v8;
	[tilespmem:$0xB0] =	vst v52;
	v54 =	vadd.s32 v1, v11  }
0x3e: {  	v55 =	vadd.s32 v3, v10;
	[tilespmem:$0xC0] =	vst v53  }
0x3f: {  	v56 =	vadd.s32 v3, v49;
	[tilespmem:$0xD0] =	vst v55  }
0x40: {  	v3 =	vadd.s32 v3, v51;
	[tilespmem:$0xE0] =	vst v56  }
0x41: {  	s0 =	simm.s32 $0x100;
	[tilespmem:$0xF0] =	vst v3  }
0x42: {  	[tilespmem:s0], [sflag:$0x1] =	stream.indirect_vreg.gather [hbm4b:s1+s3], $0x80, v54, vm0, $0xb8;
	[tilespmem:$0x18100] =	vst v63  }
0x43: {  	s25 =	simm.s32 $0x900;
	v3 =	vperm.xlane v9, v2  }
0x44: {  	[tilespmem:s25], [sflag:$0x1] =	stream.indirect_vreg.gather [hbm4b:s4+s3], $0x80, v54, vm0, $0xb8;
	[tilespmem:$0x18100] =	vst v63  }
0x45: {  	s26 =	simm.s32 $0x1100;
	v3 =	vadd.s32 v1, v3  }
0x46: {  	[tilespmem:s26], [sflag:$0x1] =	stream.indirect_vreg.gather [hbm4b:s5+s3], $0x80, v54, vm0, $0xb8;
	[tilespmem:$0x18100] =	vst v63  }
0x47: {  	s28 =	simm.s32 $0x1900  }
0x48: {  	[tilespmem:s28], [sflag:$0x1] =	stream.indirect_vreg.gather [hbm4b:s6+s3], $0x80, v54, vm0, $0xb8;
	[tilespmem:$0x18100] =	vst v63  }
0x49: {  	s29 =	simm.s32 $0x2100  }
0x4a: {  	[tilespmem:s29], [sflag:$0x1] =	stream.indirect_vreg.gather [hbm4b:s1+s3], $0x80, v3, vm0, $0xb8;
	[tilespmem:$0x18100] =	vst v63  }
0x4b: {  	s30 =	simm.s32 $0x2900  }
0x4c: {  	[tilespmem:s30], [sflag:$0x1] =	stream.indirect_vreg.gather [hbm4b:s4+s3], $0x80, v3, vm0, $0xb8;
	[tilespmem:$0x18100] =	vst v63  }
0x4d: {  	s17 =	simm.s32 $0x3100  }
0x4e: {  	[tilespmem:s17], [sflag:$0x1] =	stream.indirect_vreg.gather [hbm4b:s5+s3], $0x80, v3, vm0, $0xb8;
	[tilespmem:$0x18100] =	vst v63  }
0x4f: {  	s18 =	simm.s32 $0x3900  }
0x50: {  	[tilespmem:s18], [sflag:$0x1] =	stream.indirect_vreg.gather [hbm4b:s6+s3], $0x80, v3, vm0, $0xb8;
	[tilespmem:$0x18100] =	vst v63  }
0x51: {  	v3 =	vld [tilespmem:$0x90];
	_ =	sdelay $0x4  }
0x52: {  	v57 =	vshll.u32 v3, $0x3  }
0x53: {  	v3 =	vand.u32 $0x7, v3;
	v4 =	vand.u32 $0xFFFFFFC0, v57  }
0x54: {  	v3 =	vor.u32 v3, v4  }
0x55: {  	v4 =	vperm.xlane v3, v0;
	_ =	sdelay $0x1  }
0x56: {  	v4 =	vadd.s32 v1, v4;
	_ =	sdelay $0x3  }
0x57: {  	s19 =	simm.s32 $0x4100  }
0x58: {  	[tilespmem:s19], [sflag:$0x2] =	stream.indirect_vreg.gather [hbm4b:s1+s3], $0x80, v4, vm0, $0xb8;
	[tilespmem:$0x18100] =	vst v63  }
0x59: {  	s21 =	simm.s32 $0x4900;
	v3 =	vperm.xlane v3, v2  }
0x5a: {  	[tilespmem:s21], [sflag:$0x2] =	stream.indirect_vreg.gather [hbm4b:s4+s3], $0x80, v4, vm0, $0xb8;
	[tilespmem:$0x18100] =	vst v63  }
0x5b: {  	s22 =	simm.s32 $0x5100;
	v3 =	vadd.s32 v1, v3  }
0x5c: {  	[tilespmem:s22], [sflag:$0x2] =	stream.indirect_vreg.gather [hbm4b:s5+s3], $0x80, v4, vm0, $0xb8;
	[tilespmem:$0x18100] =	vst v63  }
0x5d: {  	s23 =	simm.s32 $0x5900  }
0x5e: {  	[tilespmem:s23], [sflag:$0x2] =	stream.indirect_vreg.gather [hbm4b:s6+s3], $0x80, v4, vm0, $0xb8;
	[tilespmem:$0x18100] =	vst v63  }
0x5f: {  	s24 =	simm.s32 $0x6100  }
0x60: {  	[tilespmem:s24], [sflag:$0x2] =	stream.indirect_vreg.gather [hbm4b:s1+s3], $0x80, v3, vm0, $0xb8;
	[tilespmem:$0x18100] =	vst v63  }
0x61: {  	s25 =	simm.s32 $0x6900  }
0x62: {  	[tilespmem:s25], [sflag:$0x2] =	stream.indirect_vreg.gather [hbm4b:s4+s3], $0x80, v3, vm0, $0xb8;
	[tilespmem:$0x18100] =	vst v63  }
0x63: {  	s26 =	simm.s32 $0x7100  }
0x64: {  	[tilespmem:s26], [sflag:$0x2] =	stream.indirect_vreg.gather [hbm4b:s5+s3], $0x80, v3, vm0, $0xb8;
	[tilespmem:$0x18100] =	vst v63  }
0x65: {  	s28 =	simm.s32 $0x7900  }
0x66: {  	[tilespmem:s28], [sflag:$0x2] =	stream.indirect_vreg.gather [hbm4b:s6+s3], $0x80, v3, vm0, $0xb8;
	[tilespmem:$0x18100] =	vst v63  }
0x67: {  	v3 =	vld [tilespmem:$0xA0];
	_ =	sdelay $0x4  }
0x68: {  	v58 =	vshll.u32 v3, $0x3  }
0x69: {  	v3 =	vand.u32 $0x7, v3;
	v4 =	vand.u32 $0xFFFFFFC0, v58  }
0x6a: {  	v3 =	vor.u32 v3, v4  }
0x6b: {  	v4 =	vperm.xlane v3, v0;
	_ =	sdelay $0x1  }
0x6c: {  	v4 =	vadd.s32 v1, v4;
	_ =	sdelay $0x3  }
0x6d: {  	s25 =	simm.s32 $0x8100  }
0x6e: {  	[tilespmem:s25], [sflag:$0x3] =	stream.indirect_vreg.gather [hbm4b:s1+s3], $0x80, v4, vm0, $0xb8;
	[tilespmem:$0x18100] =	vst v63  }
0x6f: {  	s0 =	simm.s32 $0x8900;
	v3 =	vperm.xlane v3, v2  }
0x70: {  	[tilespmem:s0], [sflag:$0x3] =	stream.indirect_vreg.gather [hbm4b:s4+s3], $0x80, v4, vm0, $0xb8;
	[tilespmem:$0x18100] =	vst v63  }
0x71: {  	s17 =	simm.s32 $0x9100;
	v3 =	vadd.s32 v1, v3  }
0x72: {  	[tilespmem:s17], [sflag:$0x3] =	stream.indirect_vreg.gather [hbm4b:s5+s3], $0x80, v4, vm0, $0xb8;
	[tilespmem:$0x18100] =	vst v63  }
0x73: {  	s29 =	simm.s32 $0x9900  }
0x74: {  	[tilespmem:s29], [sflag:$0x3] =	stream.indirect_vreg.gather [hbm4b:s6+s3], $0x80, v4, vm0, $0xb8;
	[tilespmem:$0x18100] =	vst v63  }
0x75: {  	s30 =	simm.s32 $0xA100  }
0x76: {  	[tilespmem:s30], [sflag:$0x3] =	stream.indirect_vreg.gather [hbm4b:s1+s3], $0x80, v3, vm0, $0xb8;
	[tilespmem:$0x18100] =	vst v63  }
0x77: {  	s18 =	simm.s32 $0xA900  }
0x78: {  	[tilespmem:s18], [sflag:$0x3] =	stream.indirect_vreg.gather [hbm4b:s4+s3], $0x80, v3, vm0, $0xb8;
	[tilespmem:$0x18100] =	vst v63  }
0x79: {  	s19 =	simm.s32 $0xB100  }
0x7a: {  	[tilespmem:s19], [sflag:$0x3] =	stream.indirect_vreg.gather [hbm4b:s5+s3], $0x80, v3, vm0, $0xb8;
	[tilespmem:$0x18100] =	vst v63  }
0x7b: {  	s21 =	simm.s32 $0xB900  }
0x7c: {  	[tilespmem:s21], [sflag:$0x3] =	stream.indirect_vreg.gather [hbm4b:s6+s3], $0x80, v3, vm0, $0xb8;
	[tilespmem:$0x18100] =	vst v63  }
0x7d: {  	v3 =	vld [tilespmem:$0xB0];
	_ =	sdelay $0x4  }
0x7e: {  	v59 =	vshll.u32 v3, $0x3  }
0x7f: {  	v3 =	vand.u32 $0x7, v3;
	v4 =	vand.u32 $0xFFFFFFC0, v59  }
0x80: {  	v3 =	vor.u32 v3, v4  }
0x81: {  	v4 =	vperm.xlane v3, v0;
	_ =	sdelay $0x1  }
0x82: {  	v4 =	vadd.s32 v1, v4;
	_ =	sdelay $0x3  }
0x83: {  	s22 =	simm.s32 $0xC100  }
0x84: {  	[tilespmem:s22], [sflag:$0x4] =	stream.indirect_vreg.gather [hbm4b:s1+s3], $0x80, v4, vm0, $0xb8;
	[tilespmem:$0x18100] =	vst v63  }
0x85: {  	s23 =	simm.s32 $0xC900;
	v3 =	vperm.xlane v3, v2  }
0x86: {  	[tilespmem:s23], [sflag:$0x4] =	stream.indirect_vreg.gather [hbm4b:s4+s3], $0x80, v4, vm0, $0xb8;
	[tilespmem:$0x18100] =	vst v63  }
0x87: {  	s24 =	simm.s32 $0xD100;
	v3 =	vadd.s32 v1, v3  }
0x88: {  	[tilespmem:s24], [sflag:$0x4] =	stream.indirect_vreg.gather [hbm4b:s5+s3], $0x80, v4, vm0, $0xb8;
	[tilespmem:$0x18100] =	vst v63  }
0x89: {  	s26 =	simm.s32 $0xD900  }
0x8a: {  	[tilespmem:s26], [sflag:$0x4] =	stream.indirect_vreg.gather [hbm4b:s6+s3], $0x80, v4, vm0, $0xb8;
	[tilespmem:$0x18100] =	vst v63  }
0x8b: {  	s28 =	simm.s32 $0xE100  }
0x8c: {  	[tilespmem:s28], [sflag:$0x4] =	stream.indirect_vreg.gather [hbm4b:s1+s3], $0x80, v3, vm0, $0xb8;
	[tilespmem:$0x18100] =	vst v63  }
0x8d: {  	s29 =	simm.s32 $0xE900  }
0x8e: {  	[tilespmem:s29], [sflag:$0x4] =	stream.indirect_vreg.gather [hbm4b:s4+s3], $0x80, v3, vm0, $0xb8;
	[tilespmem:$0x18100] =	vst v63  }
0x8f: {  	s30 =	simm.s32 $0xF100  }
0x90: {  	[tilespmem:s30], [sflag:$0x4] =	stream.indirect_vreg.gather [hbm4b:s5+s3], $0x80, v3, vm0, $0xb8;
	[tilespmem:$0x18100] =	vst v63  }
0x91: {  	s18 =	simm.s32 $0xF900  }
0x92: {  	[tilespmem:s18], [sflag:$0x4] =	stream.indirect_vreg.gather [hbm4b:s6+s3], $0x80, v3, vm0, $0xb8;
	[tilespmem:$0x18100] =	vst v63  }
0x93: {  	v3 =	vld [tilespmem:$0xC0];
	_ =	sdelay $0x4  }
0x94: {  	v60 =	vshll.u32 v3, $0x3  }
0x95: {  	v3 =	vand.u32 $0x7, v3;
	v4 =	vand.u32 $0xFFFFFFC0, v60  }
0x96: {  	v3 =	vor.u32 v3, v4  }
0x97: {  	v4 =	vperm.xlane v3, v0;
	_ =	sdelay $0x1  }
0x98: {  	v4 =	vadd.s32 v1, v4;
	_ =	sdelay $0x3  }
0x99: {  	s19 =	simm.s32 $0x10100  }
0x9a: {  	[tilespmem:s19], [sflag:$0x5] =	stream.indirect_vreg.gather [hbm4b:s1+s3], $0x80, v4, vm0, $0xb8;
	[tilespmem:$0x18100] =	vst v63  }
0x9b: {  	s21 =	simm.s32 $0x10900;
	v3 =	vperm.xlane v3, v2  }
0x9c: {  	[tilespmem:s21], [sflag:$0x5] =	stream.indirect_vreg.gather [hbm4b:s4+s3], $0x80, v4, vm0, $0xb8;
	[tilespmem:$0x18100] =	vst v63  }
0x9d: {  	s22 =	simm.s32 $0x11100;
	v3 =	vadd.s32 v1, v3  }
0x9e: {  	[tilespmem:s22], [sflag:$0x5] =	stream.indirect_vreg.gather [hbm4b:s5+s3], $0x80, v4, vm0, $0xb8;
	[tilespmem:$0x18100] =	vst v63  }
0x9f: {  	s23 =	simm.s32 $0x11900  }
0xa0: {  	[tilespmem:s23], [sflag:$0x5] =	stream.indirect_vreg.gather [hbm4b:s6+s3], $0x80, v4, vm0, $0xb8;
	[tilespmem:$0x18100] =	vst v63  }
0xa1: {  	s24 =	simm.s32 $0x12100  }
0xa2: {  	[tilespmem:s24], [sflag:$0x5] =	stream.indirect_vreg.gather [hbm4b:s1+s3], $0x80, v3, vm0, $0xb8;
	[tilespmem:$0x18100] =	vst v63  }
0xa3: {  	s26 =	simm.s32 $0x12900  }
0xa4: {  	[tilespmem:s26], [sflag:$0x5] =	stream.indirect_vreg.gather [hbm4b:s4+s3], $0x80, v3, vm0, $0xb8;
	[tilespmem:$0x18100] =	vst v63  }
0xa5: {  	s28 =	simm.s32 $0x13100  }
0xa6: {  	[tilespmem:s28], [sflag:$0x5] =	stream.indirect_vreg.gather [hbm4b:s5+s3], $0x80, v3, vm0, $0xb8;
	[tilespmem:$0x18100] =	vst v63  }
0xa7: {  	s29 =	simm.s32 $0x13900  }
0xa8: {  	[tilespmem:s29], [sflag:$0x5] =	stream.indirect_vreg.gather [hbm4b:s6+s3], $0x80, v3, vm0, $0xb8;
	[tilespmem:$0x18100] =	vst v63  }
0xa9: {  	v3 =	vld [tilespmem:$0xD0];
	_ =	sdelay $0x4  }
0xaa: {  	v61 =	vshll.u32 v3, $0x3  }
0xab: {  	v3 =	vand.u32 $0x7, v3;
	v4 =	vand.u32 $0xFFFFFFC0, v61  }
0xac: {  	v3 =	vor.u32 v3, v4  }
0xad: {  	v4 =	vperm.xlane v3, v0;
	_ =	sdelay $0x1  }
0xae: {  	v4 =	vadd.s32 v1, v4;
	_ =	sdelay $0x3  }
0xaf: {  	s30 =	simm.s32 $0x14100  }
0xb0: {  	[tilespmem:s30], [sflag:$0x6] =	stream.indirect_vreg.gather [hbm4b:s1+s3], $0x80, v4, vm0, $0xb8;
	[tilespmem:$0x18100] =	vst v63  }
0xb1: {  	s18 =	simm.s32 $0x14900;
	v3 =	vperm.xlane v3, v2  }
0xb2: {  	[tilespmem:s18], [sflag:$0x6] =	stream.indirect_vreg.gather [hbm4b:s4+s3], $0x80, v4, vm0, $0xb8;
	[tilespmem:$0x18100] =	vst v63  }
0xb3: {  	s19 =	simm.s32 $0x15100;
	v3 =	vadd.s32 v1, v3  }
0xb4: {  	[tilespmem:s19], [sflag:$0x6] =	stream.indirect_vreg.gather [hbm4b:s5+s3], $0x80, v4, vm0, $0xb8;
	[tilespmem:$0x18100] =	vst v63  }
0xb5: {  	s21 =	simm.s32 $0x15900  }
0xb6: {  	[tilespmem:s21], [sflag:$0x6] =	stream.indirect_vreg.gather [hbm4b:s6+s3], $0x80, v4, vm0, $0xb8;
	[tilespmem:$0x18100] =	vst v63  }
0xb7: {  	s22 =	simm.s32 $0x16100  }
0xb8: {  	[tilespmem:s22], [sflag:$0x6] =	stream.indirect_vreg.gather [hbm4b:s1+s3], $0x80, v3, vm0, $0xb8;
	[tilespmem:$0x18100] =	vst v63  }
0xb9: {  	s23 =	simm.s32 $0x16900  }
0xba: {  	[tilespmem:s23], [sflag:$0x6] =	stream.indirect_vreg.gather [hbm4b:s4+s3], $0x80, v3, vm0, $0xb8;
	[tilespmem:$0x18100] =	vst v63  }
0xbb: {  	s24 =	simm.s32 $0x17100  }
0xbc: {  	[tilespmem:s24], [sflag:$0x6] =	stream.indirect_vreg.gather [hbm4b:s5+s3], $0x80, v3, vm0, $0xb8;
	[tilespmem:$0x18100] =	vst v63  }
0xbd: {  	s26 =	simm.s32 $0x17900  }
0xbe: {  	[tilespmem:s26], [sflag:$0x6] =	stream.indirect_vreg.gather [hbm4b:s6+s3], $0x80, v3, vm0, $0xb8;
	[tilespmem:$0x18100] =	vst v63  }
0xbf: {  	_ =	swait.ge [sflag:s15], $0x4000  }
0xc0: {  	[sflag:s15] =	ssyncset.done $0x0  }
0xc1: {  	s29 =	simm.s32 $0x100;
	[sflag:s15] =	ssyncadd.s32 $0xFFFFC000  }
0xc2: {  	[hbm4b:s7+s16] =	stream.strided.scatter [tilespmem:s29], [sflag:$0x7], $0x400, s20, s16, $0x38;
	[tilespmem:$0x18100] =	vst v63  }
0xc3: {  	s28 =	sadd.s32 $0x10, s7;
	s30 =	simm.s32 $0x500  }
0xc4: {  	[hbm4b:s28+s16] =	stream.strided.scatter [tilespmem:s30], [sflag:$0x7], $0x400, s20, s16, $0x38;
	[tilespmem:$0x18100] =	vst v63  }
0xc5: {  	s17 =	sadd.s32 $0x20, s7;
	s28 =	simm.s32 $0x900  }
0xc6: {  	[hbm4b:s17+s16] =	stream.strided.scatter [tilespmem:s28], [sflag:$0x7], $0x400, s20, s16, $0x38;
	[tilespmem:$0x18100] =	vst v63  }
0xc7: {  	s18 =	sadd.s32 $0x30, s7;
	s19 =	simm.s32 $0xD00  }
0xc8: {  	[hbm4b:s18+s16] =	stream.strided.scatter [tilespmem:s19], [sflag:$0x7], $0x400, s20, s16, $0x38;
	[tilespmem:$0x18100] =	vst v63  }
0xc9: {  	s21 =	sadd.s32 $0x40, s7;
	s26 =	simm.s32 $0x1100  }
0xca: {  	[hbm4b:s21+s16] =	stream.strided.scatter [tilespmem:s26], [sflag:$0x7], $0x400, s20, s16, $0x38;
	[tilespmem:$0x18100] =	vst v63  }
0xcb: {  	s22 =	sadd.s32 $0x50, s7;
	s23 =	simm.s32 $0x1500  }
0xcc: {  	[hbm4b:s22+s16] =	stream.strided.scatter [tilespmem:s23], [sflag:$0x7], $0x400, s20, s16, $0x38;
	[tilespmem:$0x18100] =	vst v63  }
0xcd: {  	s30 =	sadd.s32 $0x60, s7;
	s23 =	simm.s32 $0x1900  }
0xce: {  	[hbm4b:s30+s16] =	stream.strided.scatter [tilespmem:s23], [sflag:$0x7], $0x400, s20, s16, $0x38;
	[tilespmem:$0x18100] =	vst v63  }
0xcf: {  	s17 =	sadd.s32 $0x70, s7;
	s18 =	simm.s32 $0x1D00  }
0xd0: {  	[hbm4b:s17+s16] =	stream.strided.scatter [tilespmem:s18], [sflag:$0x7], $0x400, s20, s16, $0x38;
	[tilespmem:$0x18100] =	vst v63  }
0xd1: {  	s19 =	sadd.s32 $0x400, s7;
	s22 =	simm.s32 $0x2100  }
0xd2: {  	[hbm4b:s19+s16] =	stream.strided.scatter [tilespmem:s22], [sflag:$0x7], $0x400, s20, s16, $0x38;
	[tilespmem:$0x18100] =	vst v63  }
0xd3: {  	s21 =	sadd.s32 $0x410, s7;
	s30 =	simm.s32 $0x2500  }
0xd4: {  	[hbm4b:s21+s16] =	stream.strided.scatter [tilespmem:s30], [sflag:$0x7], $0x400, s20, s16, $0x38;
	[tilespmem:$0x18100] =	vst v63  }
0xd5: {  	s18 =	sadd.s32 $0x420, s7;
	s19 =	simm.s32 $0x2900  }
0xd6: {  	[hbm4b:s18+s16] =	stream.strided.scatter [tilespmem:s19], [sflag:$0x7], $0x400, s20, s16, $0x38;
	[tilespmem:$0x18100] =	vst v63  }
0xd7: {  	s21 =	sadd.s32 $0x430, s7;
	s30 =	simm.s32 $0x2D00  }
0xd8: {  	[hbm4b:s21+s16] =	stream.strided.scatter [tilespmem:s30], [sflag:$0x7], $0x400, s20, s16, $0x38;
	[tilespmem:$0x18100] =	vst v63  }
0xd9: {  	s17 =	simm.s32 $0x3100;
	s18 =	sadd.s32 $0x440, s7  }
0xda: {  	[hbm4b:s18+s16] =	stream.strided.scatter [tilespmem:s17], [sflag:$0x7], $0x400, s20, s16, $0x38;
	[tilespmem:$0x18100] =	vst v63  }
0xdb: {  	s21 =	sadd.s32 $0x450, s7;
	s18 =	simm.s32 $0x3500  }
0xdc: {  	[hbm4b:s21+s16] =	stream.strided.scatter [tilespmem:s18], [sflag:$0x7], $0x400, s20, s16, $0x38;
	[tilespmem:$0x18100] =	vst v63  }
0xdd: {  	s30 =	sadd.s32 $0x460, s7;
	s21 =	simm.s32 $0x3900  }
0xde: {  	[hbm4b:s30+s16] =	stream.strided.scatter [tilespmem:s21], [sflag:$0x7], $0x400, s20, s16, $0x38;
	[tilespmem:$0x18100] =	vst v63  }
0xdf: {  	s18 =	sadd.s32 $0x470, s7;
	s30 =	simm.s32 $0x3D00  }
0xe0: {  	[hbm4b:s18+s16] =	stream.strided.scatter [tilespmem:s30], [sflag:$0x7], $0x400, s20, s16, $0x38;
	[tilespmem:$0x18100] =	vst v63  }
0xe1: {  	s18 =	simm.s32 $0x7  }
0xe2: {  	_ =	swait.ge [sflag:s18], $0x4000  }
0xe3: {  	[sflag:s18] =	ssyncset.done $0x0  }
0xe4: {  	[sflag:s18] =	ssyncadd.s32 $0xFFFFC000  }
0xe5: {  	v3 =	vld [tilespmem:$0xE0];
	_ =	sdelay $0x4  }
0xe6: {  	v62 =	vshll.u32 v3, $0x3  }
0xe7: {  	v3 =	vand.u32 $0x7, v3;
	v4 =	vand.u32 $0xFFFFFFC0, v62  }
0xe8: {  	v3 =	vor.u32 v3, v4  }
0xe9: {  	v4 =	vperm.xlane v3, v0;
	_ =	sdelay $0x1  }
0xea: {  	v4 =	vadd.s32 v1, v4;
	_ =	sdelay $0x4  }
0xeb: {  	[tilespmem:s29], [sflag:$0x1] =	stream.indirect_vreg.gather [hbm4b:s1+s3], $0x80, v4, vm0, $0xb8;
	[tilespmem:$0x18100] =	vst v63  }
0xec: {  	v3 =	vperm.xlane v3, v2  }
0xed: {  	[tilespmem:s28], [sflag:$0x1] =	stream.indirect_vreg.gather [hbm4b:s4+s3], $0x80, v4, vm0, $0xb8;
	[tilespmem:$0x18100] =	vst v63  }
0xee: {  	v3 =	vadd.s32 v1, v3  }
0xef: {  	[tilespmem:s26], [sflag:$0x1] =	stream.indirect_vreg.gather [hbm4b:s5+s3], $0x80, v4, vm0, $0xb8;
	[tilespmem:$0x18100] =	vst v63  }
0xf0: {  	_ = 	snop  }
0xf1: {  	[tilespmem:s23], [sflag:$0x1] =	stream.indirect_vreg.gather [hbm4b:s6+s3], $0x80, v4, vm0, $0xb8;
	[tilespmem:$0x18100] =	vst v63  }
0xf2: {  	_ = 	snop  }
0xf3: {  	[tilespmem:s22], [sflag:$0x1] =	stream.indirect_vreg.gather [hbm4b:s1+s3], $0x80, v3, vm0, $0xb8;
	[tilespmem:$0x18100] =	vst v63  }
0xf4: {  	_ = 	snop  }
0xf5: {  	[tilespmem:s19], [sflag:$0x1] =	stream.indirect_vreg.gather [hbm4b:s4+s3], $0x80, v3, vm0, $0xb8;
	[tilespmem:$0x18100] =	vst v63  }
0xf6: {  	_ = 	snop  }
0xf7: {  	[tilespmem:s17], [sflag:$0x1] =	stream.indirect_vreg.gather [hbm4b:s5+s3], $0x80, v3, vm0, $0xb8;
	[tilespmem:$0x18100] =	vst v63  }
0xf8: {  	_ = 	snop  }
0xf9: {  	[tilespmem:s21], [sflag:$0x1] =	stream.indirect_vreg.gather [hbm4b:s6+s3], $0x80, v3, vm0, $0xb8;
	[tilespmem:$0x18100] =	vst v63  }
0xfa: {  	_ =	swait.ge [sflag:s31], $0x4000  }
0xfb: {  	[sflag:s31] =	ssyncset.done $0x0  }
0xfc: {  	s17 =	simm.s32 $0x4100;
	[sflag:s31] =	ssyncadd.s32 $0xFFFFC000  }
0xfd: {  	[hbm4b:s8+s16] =	stream.strided.scatter [tilespmem:s17], [sflag:$0x8], $0x400, s20, s16, $0x38;
	[tilespmem:$0x18100] =	vst v63  }
0xfe: {  	s30 =	simm.s32 $0x4500;
	s29 =	sadd.s32 $0x10, s8  }
0xff: {  	[hbm4b:s29+s16] =	stream.strided.scatter [tilespmem:s30], [sflag:$0x8], $0x400, s20, s16, $0x38;
	[tilespmem:$0x18100] =	vst v63  }
0x100: {  	s19 =	simm.s32 $0x4900;
	s21 =	sadd.s32 $0x20, s8  }
0x101: {  	[hbm4b:s21+s16] =	stream.strided.scatter [tilespmem:s19], [sflag:$0x8], $0x400, s20, s16, $0x38;
	[tilespmem:$0x18100] =	vst v63  }
0x102: {  	s23 =	simm.s32 $0x4D00;
	s22 =	sadd.s32 $0x30, s8  }
0x103: {  	[hbm4b:s22+s16] =	stream.strided.scatter [tilespmem:s23], [sflag:$0x8], $0x400, s20, s16, $0x38;
	[tilespmem:$0x18100] =	vst v63  }
0x104: {  	s26 =	sadd.s32 $0x40, s8;
	s21 =	simm.s32 $0x5100  }
0x105: {  	[hbm4b:s26+s16] =	stream.strided.scatter [tilespmem:s21], [sflag:$0x8], $0x400, s20, s16, $0x38;
	[tilespmem:$0x18100] =	vst v63  }
0x106: {  	s28 =	sadd.s32 $0x50, s8;
	s29 =	simm.s32 $0x5500  }
0x107: {  	[hbm4b:s28+s16] =	stream.strided.scatter [tilespmem:s29], [sflag:$0x8], $0x400, s20, s16, $0x38;
	[tilespmem:$0x18100] =	vst v63  }
0x108: {  	s30 =	sadd.s32 $0x60, s8;
	s22 =	simm.s32 $0x5900  }
0x109: {  	[hbm4b:s30+s16] =	stream.strided.scatter [tilespmem:s22], [sflag:$0x8], $0x400, s20, s16, $0x38;
	[tilespmem:$0x18100] =	vst v63  }
0x10a: {  	s23 =	sadd.s32 $0x70, s8;
	s26 =	simm.s32 $0x5D00  }
0x10b: {  	[hbm4b:s23+s16] =	stream.strided.scatter [tilespmem:s26], [sflag:$0x8], $0x400, s20, s16, $0x38;
	[tilespmem:$0x18100] =	vst v63  }
0x10c: {  	s28 =	sadd.s32 $0x400, s8;
	s23 =	simm.s32 $0x6100  }
0x10d: {  	[hbm4b:s28+s16] =	stream.strided.scatter [tilespmem:s23], [sflag:$0x8], $0x400, s20, s16, $0x38;
	[tilespmem:$0x18100] =	vst v63  }
0x10e: {  	s29 =	sadd.s32 $0x410, s8;
	s30 =	simm.s32 $0x6500  }
0x10f: {  	[hbm4b:s29+s16] =	stream.strided.scatter [tilespmem:s30], [sflag:$0x8], $0x400, s20, s16, $0x38;
	[tilespmem:$0x18100] =	vst v63  }
0x110: {  	s26 =	simm.s32 $0x6900;
	s28 =	sadd.s32 $0x420, s8  }
0x111: {  	[hbm4b:s28+s16] =	stream.strided.scatter [tilespmem:s26], [sflag:$0x8], $0x400, s20, s16, $0x38;
	[tilespmem:$0x18100] =	vst v63  }
0x112: {  	s29 =	sadd.s32 $0x430, s8;
	s30 =	simm.s32 $0x6D00  }
0x113: {  	[hbm4b:s29+s16] =	stream.strided.scatter [tilespmem:s30], [sflag:$0x8], $0x400, s20, s16, $0x38;
	[tilespmem:$0x18100] =	vst v63  }
0x114: {  	s28 =	simm.s32 $0x7100;
	s29 =	sadd.s32 $0x440, s8  }
0x115: {  	[hbm4b:s29+s16] =	stream.strided.scatter [tilespmem:s28], [sflag:$0x8], $0x400, s20, s16, $0x38;
	[tilespmem:$0x18100] =	vst v63  }
0x116: {  	s24 =	sadd.s32 $0x450, s8;
	s30 =	simm.s32 $0x7500  }
0x117: {  	[hbm4b:s24+s16] =	stream.strided.scatter [tilespmem:s30], [sflag:$0x8], $0x400, s20, s16, $0x38;
	[tilespmem:$0x18100] =	vst v63  }
0x118: {  	s29 =	simm.s32 $0x7900;
	s30 =	sadd.s32 $0x460, s8  }
0x119: {  	[hbm4b:s30+s16] =	stream.strided.scatter [tilespmem:s29], [sflag:$0x8], $0x400, s20, s16, $0x38;
	[tilespmem:$0x18100] =	vst v63  }
0x11a: {  	s24 =	sadd.s32 $0x470, s8;
	s30 =	simm.s32 $0x7D00  }
0x11b: {  	[hbm4b:s24+s16] =	stream.strided.scatter [tilespmem:s30], [sflag:$0x8], $0x400, s20, s16, $0x38;
	[tilespmem:$0x18100] =	vst v63  }
0x11c: {  	s30 =	simm.s32 $0x8  }
0x11d: {  	_ =	swait.ge [sflag:s30], $0x4000  }
0x11e: {  	[sflag:s30] =	ssyncset.done $0x0  }
0x11f: {  	[sflag:s30] =	ssyncadd.s32 $0xFFFFC000  }
0x120: {  	v3 =	vld [tilespmem:$0xF0];
	_ =	sdelay $0x4  }
0x121: {  	v63 =	vshll.u32 v3, $0x3  }
0x122: {  	v3 =	vand.u32 $0x7, v3;
	v4 =	vand.u32 $0xFFFFFFC0, v63  }
0x123: {  	v3 =	vor.u32 v3, v4  }
0x124: {  	v4 =	vperm.xlane v3, v0;
	_ =	sdelay $0x1  }
0x125: {  	v4 =	vadd.s32 v1, v4;
	_ =	sdelay $0x4  }
0x126: {  	[tilespmem:s17], [sflag:$0x2] =	stream.indirect_vreg.gather [hbm4b:s1+s3], $0x80, v4, vm0, $0xb8;
	[tilespmem:$0x18100] =	vst v63  }
0x127: {  	v3 =	vperm.xlane v3, v2  }
0x128: {  	[tilespmem:s19], [sflag:$0x2] =	stream.indirect_vreg.gather [hbm4b:s4+s3], $0x80, v4, vm0, $0xb8;
	[tilespmem:$0x18100] =	vst v63  }
0x129: {  	v3 =	vadd.s32 v1, v3  }
0x12a: {  	[tilespmem:s21], [sflag:$0x2] =	stream.indirect_vreg.gather [hbm4b:s5+s3], $0x80, v4, vm0, $0xb8;
	[tilespmem:$0x18100] =	vst v63  }
0x12b: {  	_ = 	snop  }
0x12c: {  	[tilespmem:s22], [sflag:$0x2] =	stream.indirect_vreg.gather [hbm4b:s6+s3], $0x80, v4, vm0, $0xb8;
	[tilespmem:$0x18100] =	vst v63  }
0x12d: {  	_ = 	snop  }
0x12e: {  	[tilespmem:s23], [sflag:$0x2] =	stream.indirect_vreg.gather [hbm4b:s1+s3], $0x80, v3, vm0, $0xb8;
	[tilespmem:$0x18100] =	vst v63  }
0x12f: {  	_ = 	snop  }
0x130: {  	[tilespmem:s26], [sflag:$0x2] =	stream.indirect_vreg.gather [hbm4b:s4+s3], $0x80, v3, vm0, $0xb8;
	[tilespmem:$0x18100] =	vst v63  }
0x131: {  	_ = 	snop  }
0x132: {  	[tilespmem:s28], [sflag:$0x2] =	stream.indirect_vreg.gather [hbm4b:s5+s3], $0x80, v3, vm0, $0xb8;
	[tilespmem:$0x18100] =	vst v63  }
0x133: {  	_ = 	snop  }
0x134: {  	[tilespmem:s29], [sflag:$0x2] =	stream.indirect_vreg.gather [hbm4b:s6+s3], $0x80, v3, vm0, $0xb8;
	[tilespmem:$0x18100] =	vst v63  }
0x135: {  	s29 =	simm.s32 $0x3  }
0x136: {  	_ =	swait.ge [sflag:s29], $0x4000  }
0x137: {  	[sflag:s29] =	ssyncset.done $0x0  }
0x138: {  	[sflag:s29] =	ssyncadd.s32 $0xFFFFC000  }
0x139: {  	[hbm4b:s9+s16] =	stream.strided.scatter [tilespmem:s25], [sflag:$0x9], $0x400, s20, s16, $0x38;
	[tilespmem:$0x18100] =	vst v63  }
0x13a: {  	s26 =	sadd.s32 $0x10, s9;
	s23 =	rddreg [dreg:$0x7]  }
0x13b: {  	[hbm4b:s26+s16] =	stream.strided.scatter [tilespmem:s23], [sflag:$0x9], $0x400, s20, s16, $0x38;
	[tilespmem:$0x18100] =	vst v63  }
0x13c: {  	s28 =	sadd.s32 $0x20, s9  }
0x13d: {  	[hbm4b:s28+s16] =	stream.strided.scatter [tilespmem:s0], [sflag:$0x9], $0x400, s20, s16, $0x38;
	[tilespmem:$0x18100] =	vst v63  }
0x13e: {  	s29 =	rddreg [dreg:$0x8];
	s23 =	sadd.s32 $0x30, s9  }
0x13f: {  	[hbm4b:s23+s16] =	stream.strided.scatter [tilespmem:s29], [sflag:$0x9], $0x400, s20, s16, $0x38;
	[tilespmem:$0x18100] =	vst v63  }
0x140: {  	s26 =	sadd.s32 $0x40, s9;
	s29 =	simm.s32 $0x9100  }
0x141: {  	[hbm4b:s26+s16] =	stream.strided.scatter [tilespmem:s29], [sflag:$0x9], $0x400, s20, s16, $0x38;
	[tilespmem:$0x18100] =	vst v63  }
0x142: {  	s28 =	rddreg [dreg:$0x9];
	s23 =	sadd.s32 $0x50, s9  }
0x143: {  	[hbm4b:s23+s16] =	stream.strided.scatter [tilespmem:s28], [sflag:$0x9], $0x400, s20, s16, $0x38;
	[tilespmem:$0x18100] =	vst v63  }
0x144: {  	s26 =	sadd.s32 $0x60, s9;
	s29 =	simm.s32 $0x9900  }
0x145: {  	[hbm4b:s26+s16] =	stream.strided.scatter [tilespmem:s29], [sflag:$0x9], $0x400, s20, s16, $0x38;
	[tilespmem:$0x18100] =	vst v63  }
0x146: {  	s28 =	rddreg [dreg:$0xa];
	s23 =	sadd.s32 $0x70, s9  }
0x147: {  	[hbm4b:s23+s16] =	stream.strided.scatter [tilespmem:s28], [sflag:$0x9], $0x400, s20, s16, $0x38;
	[tilespmem:$0x18100] =	vst v63  }
0x148: {  	s26 =	sadd.s32 $0x400, s9;
	s29 =	simm.s32 $0xA100  }
0x149: {  	[hbm4b:s26+s16] =	stream.strided.scatter [tilespmem:s29], [sflag:$0x9], $0x400, s20, s16, $0x38;
	[tilespmem:$0x18100] =	vst v63  }
0x14a: {  	s28 =	rddreg [dreg:$0xb];
	s23 =	sadd.s32 $0x410, s9  }
0x14b: {  	[hbm4b:s23+s16] =	stream.strided.scatter [tilespmem:s28], [sflag:$0x9], $0x400, s20, s16, $0x38;
	[tilespmem:$0x18100] =	vst v63  }
0x14c: {  	s26 =	sadd.s32 $0x420, s9;
	s29 =	simm.s32 $0xA900  }
0x14d: {  	[hbm4b:s26+s16] =	stream.strided.scatter [tilespmem:s29], [sflag:$0x9], $0x400, s20, s16, $0x38;
	[tilespmem:$0x18100] =	vst v63  }
0x14e: {  	s28 =	rddreg [dreg:$0xc];
	s23 =	sadd.s32 $0x430, s9  }
0x14f: {  	[hbm4b:s23+s16] =	stream.strided.scatter [tilespmem:s28], [sflag:$0x9], $0x400, s20, s16, $0x38;
	[tilespmem:$0x18100] =	vst v63  }
0x150: {  	s26 =	sadd.s32 $0x440, s9;
	s29 =	simm.s32 $0xB100  }
0x151: {  	[hbm4b:s26+s16] =	stream.strided.scatter [tilespmem:s29], [sflag:$0x9], $0x400, s20, s16, $0x38;
	[tilespmem:$0x18100] =	vst v63  }
0x152: {  	s28 =	rddreg [dreg:$0xd];
	s23 =	sadd.s32 $0x450, s9  }
0x153: {  	[hbm4b:s23+s16] =	stream.strided.scatter [tilespmem:s28], [sflag:$0x9], $0x400, s20, s16, $0x38;
	[tilespmem:$0x18100] =	vst v63  }
0x154: {  	s26 =	sadd.s32 $0x460, s9;
	s29 =	simm.s32 $0xB900  }
0x155: {  	[hbm4b:s26+s16] =	stream.strided.scatter [tilespmem:s29], [sflag:$0x9], $0x400, s20, s16, $0x38;
	[tilespmem:$0x18100] =	vst v63  }
0x156: {  	s28 =	rddreg [dreg:$0xe];
	s23 =	sadd.s32 $0x470, s9;
	s26 =	simm.s32 $0x4  }
0x157: {  	[hbm4b:s23+s16] =	stream.strided.scatter [tilespmem:s28], [sflag:$0x9], $0x400, s20, s16, $0x38;
	[tilespmem:$0x18100] =	vst v63  }
0x158: {  	_ =	swait.ge [sflag:s26], $0x4000  }
0x159: {  	[sflag:s26] =	ssyncset.done $0x0  }
0x15a: {  	s29 =	simm.s32 $0xC100;
	[sflag:s26] =	ssyncadd.s32 $0xFFFFC000  }
0x15b: {  	[hbm4b:s10+s16] =	stream.strided.scatter [tilespmem:s29], [sflag:$0xA], $0x400, s20, s16, $0x38;
	[tilespmem:$0x18100] =	vst v63  }
0x15c: {  	s23 =	sadd.s32 $0x10, s10;
	s28 =	rddreg [dreg:$0xf]  }
0x15d: {  	[hbm4b:s23+s16] =	stream.strided.scatter [tilespmem:s28], [sflag:$0xA], $0x400, s20, s16, $0x38;
	[tilespmem:$0x18100] =	vst v63  }
0x15e: {  	s26 =	sadd.s32 $0x20, s10;
	s29 =	simm.s32 $0xC900  }
0x15f: {  	[hbm4b:s26+s16] =	stream.strided.scatter [tilespmem:s29], [sflag:$0xA], $0x400, s20, s16, $0x38;
	[tilespmem:$0x18100] =	vst v63  }
0x160: {  	s28 =	rddreg [dreg:$0x10];
	s23 =	sadd.s32 $0x30, s10  }
0x161: {  	[hbm4b:s23+s16] =	stream.strided.scatter [tilespmem:s28], [sflag:$0xA], $0x400, s20, s16, $0x38;
	[tilespmem:$0x18100] =	vst v63  }
0x162: {  	s26 =	sadd.s32 $0x40, s10;
	s29 =	simm.s32 $0xD100  }
0x163: {  	[hbm4b:s26+s16] =	stream.strided.scatter [tilespmem:s29], [sflag:$0xA], $0x400, s20, s16, $0x38;
	[tilespmem:$0x18100] =	vst v63  }
0x164: {  	s28 =	rddreg [dreg:$0x11];
	s23 =	sadd.s32 $0x50, s10  }
0x165: {  	[hbm4b:s23+s16] =	stream.strided.scatter [tilespmem:s28], [sflag:$0xA], $0x400, s20, s16, $0x38;
	[tilespmem:$0x18100] =	vst v63  }
0x166: {  	s26 =	sadd.s32 $0x60, s10;
	s29 =	simm.s32 $0xD900  }
0x167: {  	[hbm4b:s26+s16] =	stream.strided.scatter [tilespmem:s29], [sflag:$0xA], $0x400, s20, s16, $0x38;
	[tilespmem:$0x18100] =	vst v63  }
0x168: {  	s28 =	rddreg [dreg:$0x12];
	s23 =	sadd.s32 $0x70, s10  }
0x169: {  	[hbm4b:s23+s16] =	stream.strided.scatter [tilespmem:s28], [sflag:$0xA], $0x400, s20, s16, $0x38;
	[tilespmem:$0x18100] =	vst v63  }
0x16a: {  	s26 =	sadd.s32 $0x400, s10;
	s29 =	simm.s32 $0xE100  }
0x16b: {  	[hbm4b:s26+s16] =	stream.strided.scatter [tilespmem:s29], [sflag:$0xA], $0x400, s20, s16, $0x38;
	[tilespmem:$0x18100] =	vst v63  }
0x16c: {  	s28 =	rddreg [dreg:$0x13];
	s23 =	sadd.s32 $0x410, s10  }
0x16d: {  	[hbm4b:s23+s16] =	stream.strided.scatter [tilespmem:s28], [sflag:$0xA], $0x400, s20, s16, $0x38;
	[tilespmem:$0x18100] =	vst v63  }
0x16e: {  	s26 =	sadd.s32 $0x420, s10;
	s29 =	simm.s32 $0xE900  }
0x16f: {  	[hbm4b:s26+s16] =	stream.strided.scatter [tilespmem:s29], [sflag:$0xA], $0x400, s20, s16, $0x38;
	[tilespmem:$0x18100] =	vst v63  }
0x170: {  	s28 =	rddreg [dreg:$0x14];
	s23 =	sadd.s32 $0x430, s10  }
0x171: {  	[hbm4b:s23+s16] =	stream.strided.scatter [tilespmem:s28], [sflag:$0xA], $0x400, s20, s16, $0x38;
	[tilespmem:$0x18100] =	vst v63  }
0x172: {  	s26 =	sadd.s32 $0x440, s10;
	s29 =	simm.s32 $0xF100  }
0x173: {  	[hbm4b:s26+s16] =	stream.strided.scatter [tilespmem:s29], [sflag:$0xA], $0x400, s20, s16, $0x38;
	[tilespmem:$0x18100] =	vst v63  }
0x174: {  	s28 =	rddreg [dreg:$0x15];
	s23 =	sadd.s32 $0x450, s10  }
0x175: {  	[hbm4b:s23+s16] =	stream.strided.scatter [tilespmem:s28], [sflag:$0xA], $0x400, s20, s16, $0x38;
	[tilespmem:$0x18100] =	vst v63  }
0x176: {  	s26 =	sadd.s32 $0x460, s10;
	s29 =	simm.s32 $0xF900  }
0x177: {  	[hbm4b:s26+s16] =	stream.strided.scatter [tilespmem:s29], [sflag:$0xA], $0x400, s20, s16, $0x38;
	[tilespmem:$0x18100] =	vst v63  }
0x178: {  	s28 =	rddreg [dreg:$0x16];
	s23 =	sadd.s32 $0x470, s10;
	s26 =	simm.s32 $0x5  }
0x179: {  	[hbm4b:s23+s16] =	stream.strided.scatter [tilespmem:s28], [sflag:$0xA], $0x400, s20, s16, $0x38;
	[tilespmem:$0x18100] =	vst v63  }
0x17a: {  	_ =	swait.ge [sflag:s26], $0x4000  }
0x17b: {  	[sflag:s26] =	ssyncset.done $0x0  }
0x17c: {  	s29 =	simm.s32 $0x10100;
	[sflag:s26] =	ssyncadd.s32 $0xFFFFC000  }
0x17d: {  	[hbm4b:s11+s16] =	stream.strided.scatter [tilespmem:s29], [sflag:$0xB], $0x400, s20, s16, $0x38;
	[tilespmem:$0x18100] =	vst v63  }
0x17e: {  	s23 =	sadd.s32 $0x10, s11;
	s28 =	rddreg [dreg:$0x17]  }
0x17f: {  	[hbm4b:s23+s16] =	stream.strided.scatter [tilespmem:s28], [sflag:$0xB], $0x400, s20, s16, $0x38;
	[tilespmem:$0x18100] =	vst v63  }
0x180: {  	s26 =	sadd.s32 $0x20, s11;
	s29 =	simm.s32 $0x10900  }
0x181: {  	[hbm4b:s26+s16] =	stream.strided.scatter [tilespmem:s29], [sflag:$0xB], $0x400, s20, s16, $0x38;
	[tilespmem:$0x18100] =	vst v63  }
0x182: {  	s28 =	rddreg [dreg:$0x18];
	s23 =	sadd.s32 $0x30, s11  }
0x183: {  	[hbm4b:s23+s16] =	stream.strided.scatter [tilespmem:s28], [sflag:$0xB], $0x400, s20, s16, $0x38;
	[tilespmem:$0x18100] =	vst v63  }
0x184: {  	s26 =	sadd.s32 $0x40, s11;
	s29 =	simm.s32 $0x11100  }
0x185: {  	[hbm4b:s26+s16] =	stream.strided.scatter [tilespmem:s29], [sflag:$0xB], $0x400, s20, s16, $0x38;
	[tilespmem:$0x18100] =	vst v63  }
0x186: {  	s28 =	rddreg [dreg:$0x19];
	s23 =	sadd.s32 $0x50, s11  }
0x187: {  	[hbm4b:s23+s16] =	stream.strided.scatter [tilespmem:s28], [sflag:$0xB], $0x400, s20, s16, $0x38;
	[tilespmem:$0x18100] =	vst v63  }
0x188: {  	s26 =	sadd.s32 $0x60, s11;
	s29 =	simm.s32 $0x11900  }
0x189: {  	[hbm4b:s26+s16] =	stream.strided.scatter [tilespmem:s29], [sflag:$0xB], $0x400, s20, s16, $0x38;
	[tilespmem:$0x18100] =	vst v63  }
0x18a: {  	s28 =	rddreg [dreg:$0x1a];
	s23 =	sadd.s32 $0x70, s11  }
0x18b: {  	[hbm4b:s23+s16] =	stream.strided.scatter [tilespmem:s28], [sflag:$0xB], $0x400, s20, s16, $0x38;
	[tilespmem:$0x18100] =	vst v63  }
0x18c: {  	s26 =	sadd.s32 $0x400, s11;
	s29 =	simm.s32 $0x12100  }
0x18d: {  	[hbm4b:s26+s16] =	stream.strided.scatter [tilespmem:s29], [sflag:$0xB], $0x400, s20, s16, $0x38;
	[tilespmem:$0x18100] =	vst v63  }
0x18e: {  	s28 =	rddreg [dreg:$0x1b];
	s23 =	sadd.s32 $0x410, s11  }
0x18f: {  	[hbm4b:s23+s16] =	stream.strided.scatter [tilespmem:s28], [sflag:$0xB], $0x400, s20, s16, $0x38;
	[tilespmem:$0x18100] =	vst v63  }
0x190: {  	s26 =	sadd.s32 $0x420, s11;
	s29 =	simm.s32 $0x12900  }
0x191: {  	[hbm4b:s26+s16] =	stream.strided.scatter [tilespmem:s29], [sflag:$0xB], $0x400, s20, s16, $0x38;
	[tilespmem:$0x18100] =	vst v63  }
0x192: {  	s28 =	rddreg [dreg:$0x1c];
	s23 =	sadd.s32 $0x430, s11  }
0x193: {  	[hbm4b:s23+s16] =	stream.strided.scatter [tilespmem:s28], [sflag:$0xB], $0x400, s20, s16, $0x38;
	[tilespmem:$0x18100] =	vst v63  }
0x194: {  	s26 =	sadd.s32 $0x440, s11;
	s29 =	simm.s32 $0x13100  }
0x195: {  	[hbm4b:s26+s16] =	stream.strided.scatter [tilespmem:s29], [sflag:$0xB], $0x400, s20, s16, $0x38;
	[tilespmem:$0x18100] =	vst v63  }
0x196: {  	s28 =	rddreg [dreg:$0x1d];
	s23 =	sadd.s32 $0x450, s11  }
0x197: {  	[hbm4b:s23+s16] =	stream.strided.scatter [tilespmem:s28], [sflag:$0xB], $0x400, s20, s16, $0x38;
	[tilespmem:$0x18100] =	vst v63  }
0x198: {  	s26 =	sadd.s32 $0x460, s11;
	s29 =	simm.s32 $0x13900  }
0x199: {  	[hbm4b:s26+s16] =	stream.strided.scatter [tilespmem:s29], [sflag:$0xB], $0x400, s20, s16, $0x38;
	[tilespmem:$0x18100] =	vst v63  }
0x19a: {  	s28 =	rddreg [dreg:$0x1e];
	s23 =	sadd.s32 $0x470, s11;
	s26 =	simm.s32 $0x6  }
0x19b: {  	[hbm4b:s23+s16] =	stream.strided.scatter [tilespmem:s28], [sflag:$0xB], $0x400, s20, s16, $0x38;
	[tilespmem:$0x18100] =	vst v63  }
0x19c: {  	_ =	swait.ge [sflag:s26], $0x4000  }
0x19d: {  	[sflag:s26] =	ssyncset.done $0x0  }
0x19e: {  	s29 =	simm.s32 $0x14100;
	[sflag:s26] =	ssyncadd.s32 $0xFFFFC000  }
0x19f: {  	[hbm4b:s12+s16] =	stream.strided.scatter [tilespmem:s29], [sflag:$0xC], $0x400, s20, s16, $0x38;
	[tilespmem:$0x18100] =	vst v63  }
0x1a0: {  	s23 =	sadd.s32 $0x10, s12;
	s28 =	rddreg [dreg:$0x1f]  }
0x1a1: {  	[hbm4b:s23+s16] =	stream.strided.scatter [tilespmem:s28], [sflag:$0xC], $0x400, s20, s16, $0x38;
	[tilespmem:$0x18100] =	vst v63  }
0x1a2: {  	s26 =	sadd.s32 $0x20, s12;
	s29 =	simm.s32 $0x14900;
	s28 =	sld [smem:$0x7F7]  }
0x1a3: {  	[hbm4b:s26+s16] =	stream.strided.scatter [tilespmem:s29], [sflag:$0xC], $0x400, s20, s16, $0x38;
	[tilespmem:$0x18100] =	vst v63  }
0x1a4: {  	s23 =	sadd.s32 $0x30, s12  }
0x1a5: {  	[hbm4b:s23+s16] =	stream.strided.scatter [tilespmem:s28], [sflag:$0xC], $0x400, s20, s16, $0x38;
	[tilespmem:$0x18100] =	vst v63  }
0x1a6: {  	s26 =	sadd.s32 $0x40, s12;
	s29 =	simm.s32 $0x15100;
	s28 =	sld [smem:$0x7F8]  }
0x1a7: {  	[hbm4b:s26+s16] =	stream.strided.scatter [tilespmem:s29], [sflag:$0xC], $0x400, s20, s16, $0x38;
	[tilespmem:$0x18100] =	vst v63  }
0x1a8: {  	s23 =	sadd.s32 $0x50, s12  }
0x1a9: {  	[hbm4b:s23+s16] =	stream.strided.scatter [tilespmem:s28], [sflag:$0xC], $0x400, s20, s16, $0x38;
	[tilespmem:$0x18100] =	vst v63  }
0x1aa: {  	s26 =	sadd.s32 $0x60, s12;
	s29 =	simm.s32 $0x15900;
	s28 =	sld [smem:$0x7F9]  }
0x1ab: {  	[hbm4b:s26+s16] =	stream.strided.scatter [tilespmem:s29], [sflag:$0xC], $0x400, s20, s16, $0x38;
	[tilespmem:$0x18100] =	vst v63  }
0x1ac: {  	s23 =	sadd.s32 $0x70, s12  }
0x1ad: {  	[hbm4b:s23+s16] =	stream.strided.scatter [tilespmem:s28], [sflag:$0xC], $0x400, s20, s16, $0x38;
	[tilespmem:$0x18100] =	vst v63  }
0x1ae: {  	s26 =	sadd.s32 $0x400, s12;
	s29 =	simm.s32 $0x16100;
	s28 =	sld [smem:$0x7FA]  }
0x1af: {  	[hbm4b:s26+s16] =	stream.strided.scatter [tilespmem:s29], [sflag:$0xC], $0x400, s20, s16, $0x38;
	[tilespmem:$0x18100] =	vst v63  }
0x1b0: {  	s23 =	sadd.s32 $0x410, s12  }
0x1b1: {  	[hbm4b:s23+s16] =	stream.strided.scatter [tilespmem:s28], [sflag:$0xC], $0x400, s20, s16, $0x38;
	[tilespmem:$0x18100] =	vst v63  }
0x1b2: {  	s26 =	sadd.s32 $0x420, s12;
	s29 =	simm.s32 $0x16900;
	s28 =	sld [smem:$0x7FB]  }
0x1b3: {  	[hbm4b:s26+s16] =	stream.strided.scatter [tilespmem:s29], [sflag:$0xC], $0x400, s20, s16, $0x38;
	[tilespmem:$0x18100] =	vst v63  }
0x1b4: {  	s23 =	sadd.s32 $0x430, s12  }
0x1b5: {  	[hbm4b:s23+s16] =	stream.strided.scatter [tilespmem:s28], [sflag:$0xC], $0x400, s20, s16, $0x38;
	[tilespmem:$0x18100] =	vst v63  }
0x1b6: {  	s26 =	sadd.s32 $0x440, s12;
	s29 =	simm.s32 $0x17100;
	s28 =	sld [smem:$0x7FC]  }
0x1b7: {  	[hbm4b:s26+s16] =	stream.strided.scatter [tilespmem:s29], [sflag:$0xC], $0x400, s20, s16, $0x38;
	[tilespmem:$0x18100] =	vst v63  }
0x1b8: {  	s23 =	sadd.s32 $0x450, s12  }
0x1b9: {  	[hbm4b:s23+s16] =	stream.strided.scatter [tilespmem:s28], [sflag:$0xC], $0x400, s20, s16, $0x38;
	[tilespmem:$0x18100] =	vst v63  }
0x1ba: {  	s26 =	sadd.s32 $0x460, s12;
	s29 =	simm.s32 $0x17900;
	s28 =	sld [smem:$0x7FD]  }
0x1bb: {  	[hbm4b:s26+s16] =	stream.strided.scatter [tilespmem:s29], [sflag:$0xC], $0x400, s20, s16, $0x38;
	[tilespmem:$0x18100] =	vst v63  }
0x1bc: {  	s23 =	sadd.s32 $0x470, s12  }
0x1bd: {  	[hbm4b:s23+s16] =	stream.strided.scatter [tilespmem:s28], [sflag:$0xC], $0x400, s20, s16, $0x38;
	[tilespmem:$0x18100] =	vst v63  }
0x1be: {  	_ =	swait.ge [sflag:s15], $0x4000  }
0x1bf: {  	[sflag:s15] =	ssyncset.done $0x0  }
0x1c0: {  	s24 =	simm.s32 $0x100;
	[sflag:s15] =	ssyncadd.s32 $0xFFFFC000  }
0x1c1: {  	[hbm4b:s13+s16] =	stream.strided.scatter [tilespmem:s24], [sflag:$0x7], $0x400, s20, s16, $0x38;
	[tilespmem:$0x18100] =	vst v63  }
0x1c2: {  	s25 =	sadd.s32 $0x10, s13;
	s26 =	simm.s32 $0x500  }
0x1c3: {  	[hbm4b:s25+s16] =	stream.strided.scatter [tilespmem:s26], [sflag:$0x7], $0x400, s20, s16, $0x38;
	[tilespmem:$0x18100] =	vst v63  }
0x1c4: {  	s29 =	simm.s32 $0x900;
	s28 =	sadd.s32 $0x20, s13  }
0x1c5: {  	[hbm4b:s28+s16] =	stream.strided.scatter [tilespmem:s29], [sflag:$0x7], $0x400, s20, s16, $0x38;
	[tilespmem:$0x18100] =	vst v63  }
0x1c6: {  	s0 =	sadd.s32 $0x30, s13;
	s23 =	simm.s32 $0xD00  }
0x1c7: {  	[hbm4b:s0+s16] =	stream.strided.scatter [tilespmem:s23], [sflag:$0x7], $0x400, s20, s16, $0x38;
	[tilespmem:$0x18100] =	vst v63  }
0x1c8: {  	s25 =	sadd.s32 $0x40, s13;
	s26 =	simm.s32 $0x1100  }
0x1c9: {  	[hbm4b:s25+s16] =	stream.strided.scatter [tilespmem:s26], [sflag:$0x7], $0x400, s20, s16, $0x38;
	[tilespmem:$0x18100] =	vst v63  }
0x1ca: {  	s28 =	sadd.s32 $0x50, s13;
	s29 =	simm.s32 $0x1500  }
0x1cb: {  	[hbm4b:s28+s16] =	stream.strided.scatter [tilespmem:s29], [sflag:$0x7], $0x400, s20, s16, $0x38;
	[tilespmem:$0x18100] =	vst v63  }
0x1cc: {  	s0 =	sadd.s32 $0x60, s13;
	s23 =	simm.s32 $0x1900  }
0x1cd: {  	[hbm4b:s0+s16] =	stream.strided.scatter [tilespmem:s23], [sflag:$0x7], $0x400, s20, s16, $0x38;
	[tilespmem:$0x18100] =	vst v63  }
0x1ce: {  	s25 =	sadd.s32 $0x70, s13;
	s26 =	simm.s32 $0x1D00  }
0x1cf: {  	[hbm4b:s25+s16] =	stream.strided.scatter [tilespmem:s26], [sflag:$0x7], $0x400, s20, s16, $0x38;
	[tilespmem:$0x18100] =	vst v63  }
0x1d0: {  	s28 =	sadd.s32 $0x400, s13;
	s29 =	simm.s32 $0x2100  }
0x1d1: {  	[hbm4b:s28+s16] =	stream.strided.scatter [tilespmem:s29], [sflag:$0x7], $0x400, s20, s16, $0x38;
	[tilespmem:$0x18100] =	vst v63  }
0x1d2: {  	s0 =	sadd.s32 $0x410, s13;
	s23 =	simm.s32 $0x2500  }
0x1d3: {  	[hbm4b:s0+s16] =	stream.strided.scatter [tilespmem:s23], [sflag:$0x7], $0x400, s20, s16, $0x38;
	[tilespmem:$0x18100] =	vst v63  }
0x1d4: {  	s25 =	sadd.s32 $0x420, s13;
	s26 =	simm.s32 $0x2900  }
0x1d5: {  	[hbm4b:s25+s16] =	stream.strided.scatter [tilespmem:s26], [sflag:$0x7], $0x400, s20, s16, $0x38;
	[tilespmem:$0x18100] =	vst v63  }
0x1d6: {  	s28 =	sadd.s32 $0x430, s13;
	s29 =	simm.s32 $0x2D00  }
0x1d7: {  	[hbm4b:s28+s16] =	stream.strided.scatter [tilespmem:s29], [sflag:$0x7], $0x400, s20, s16, $0x38;
	[tilespmem:$0x18100] =	vst v63  }
0x1d8: {  	s0 =	sadd.s32 $0x440, s13;
	s23 =	simm.s32 $0x3100  }
0x1d9: {  	[hbm4b:s0+s16] =	stream.strided.scatter [tilespmem:s23], [sflag:$0x7], $0x400, s20, s16, $0x38;
	[tilespmem:$0x18100] =	vst v63  }
0x1da: {  	s25 =	sadd.s32 $0x450, s13;
	s26 =	simm.s32 $0x3500  }
0x1db: {  	[hbm4b:s25+s16] =	stream.strided.scatter [tilespmem:s26], [sflag:$0x7], $0x400, s20, s16, $0x38;
	[tilespmem:$0x18100] =	vst v63  }
0x1dc: {  	s28 =	sadd.s32 $0x460, s13;
	s29 =	simm.s32 $0x3900  }
0x1dd: {  	[hbm4b:s28+s16] =	stream.strided.scatter [tilespmem:s29], [sflag:$0x7], $0x400, s20, s16, $0x38;
	[tilespmem:$0x18100] =	vst v63  }
0x1de: {  	s23 =	sadd.s32 $0x470, s13;
	s25 =	simm.s32 $0x3D00  }
0x1df: {  	[hbm4b:s23+s16] =	stream.strided.scatter [tilespmem:s25], [sflag:$0x7], $0x400, s20, s16, $0x38;
	[tilespmem:$0x18100] =	vst v63  }
0x1e0: {  	_ =	swait.ge [sflag:s31], $0x4000  }
0x1e1: {  	[sflag:s31] =	ssyncset.done $0x0  }
0x1e2: {  	s26 =	simm.s32 $0x4100;
	[sflag:s31] =	ssyncadd.s32 $0xFFFFC000  }
0x1e3: {  	[hbm4b:s14+s16] =	stream.strided.scatter [tilespmem:s26], [sflag:$0x8], $0x400, s20, s16, $0x38;
	[tilespmem:$0x18100] =	vst v63  }
0x1e4: {  	s28 =	sadd.s32 $0x10, s14;
	s29 =	simm.s32 $0x4500  }
0x1e5: {  	[hbm4b:s28+s16] =	stream.strided.scatter [tilespmem:s29], [sflag:$0x8], $0x400, s20, s16, $0x38;
	[tilespmem:$0x18100] =	vst v63  }
0x1e6: {  	s0 =	sadd.s32 $0x20, s14;
	s23 =	simm.s32 $0x4900  }
0x1e7: {  	[hbm4b:s0+s16] =	stream.strided.scatter [tilespmem:s23], [sflag:$0x8], $0x400, s20, s16, $0x38;
	[tilespmem:$0x18100] =	vst v63  }
0x1e8: {  	s25 =	sadd.s32 $0x30, s14;
	s26 =	simm.s32 $0x4D00  }
0x1e9: {  	[hbm4b:s25+s16] =	stream.strided.scatter [tilespmem:s26], [sflag:$0x8], $0x400, s20, s16, $0x38;
	[tilespmem:$0x18100] =	vst v63  }
0x1ea: {  	s28 =	sadd.s32 $0x40, s14;
	s29 =	simm.s32 $0x5100  }
0x1eb: {  	[hbm4b:s28+s16] =	stream.strided.scatter [tilespmem:s29], [sflag:$0x8], $0x400, s20, s16, $0x38;
	[tilespmem:$0x18100] =	vst v63  }
0x1ec: {  	s0 =	sadd.s32 $0x50, s14;
	s23 =	simm.s32 $0x5500  }
0x1ed: {  	[hbm4b:s0+s16] =	stream.strided.scatter [tilespmem:s23], [sflag:$0x8], $0x400, s20, s16, $0x38;
	[tilespmem:$0x18100] =	vst v63  }
0x1ee: {  	s25 =	sadd.s32 $0x60, s14;
	s26 =	simm.s32 $0x5900  }
0x1ef: {  	[hbm4b:s25+s16] =	stream.strided.scatter [tilespmem:s26], [sflag:$0x8], $0x400, s20, s16, $0x38;
	[tilespmem:$0x18100] =	vst v63  }
0x1f0: {  	s28 =	sadd.s32 $0x70, s14;
	s29 =	simm.s32 $0x5D00  }
0x1f1: {  	[hbm4b:s28+s16] =	stream.strided.scatter [tilespmem:s29], [sflag:$0x8], $0x400, s20, s16, $0x38;
	[tilespmem:$0x18100] =	vst v63  }
0x1f2: {  	s22 =	simm.s32 $0x6100;
	s0 =	sadd.s32 $0x400, s14  }
0x1f3: {  	[hbm4b:s0+s16] =	stream.strided.scatter [tilespmem:s22], [sflag:$0x8], $0x400, s20, s16, $0x38;
	[tilespmem:$0x18100] =	vst v63  }
0x1f4: {  	s23 =	simm.s32 $0x6500;
	s22 =	sadd.s32 $0x410, s14  }
0x1f5: {  	[hbm4b:s22+s16] =	stream.strided.scatter [tilespmem:s23], [sflag:$0x8], $0x400, s20, s16, $0x38;
	[tilespmem:$0x18100] =	vst v63  }
0x1f6: {  	s21 =	simm.s32 $0x6900;
	s25 =	sadd.s32 $0x420, s14  }
0x1f7: {  	[hbm4b:s25+s16] =	stream.strided.scatter [tilespmem:s21], [sflag:$0x8], $0x400, s20, s16, $0x38;
	[tilespmem:$0x18100] =	vst v63  }
0x1f8: {  	s26 =	sadd.s32 $0x430, s14;
	s28 =	simm.s32 $0x6D00  }
0x1f9: {  	[hbm4b:s26+s16] =	stream.strided.scatter [tilespmem:s28], [sflag:$0x8], $0x400, s20, s16, $0x38;
	[tilespmem:$0x18100] =	vst v63  }
0x1fa: {  	s19 =	simm.s32 $0x7100;
	s29 =	sadd.s32 $0x440, s14  }
0x1fb: {  	[hbm4b:s29+s16] =	stream.strided.scatter [tilespmem:s19], [sflag:$0x8], $0x400, s20, s16, $0x38;
	[tilespmem:$0x18100] =	vst v63  }
0x1fc: {  	s0 =	sadd.s32 $0x450, s14;
	s19 =	simm.s32 $0x7500  }
0x1fd: {  	[hbm4b:s0+s16] =	stream.strided.scatter [tilespmem:s19], [sflag:$0x8], $0x400, s20, s16, $0x38;
	[tilespmem:$0x18100] =	vst v63  }
0x1fe: {  	s17 =	simm.s32 $0x7900;
	s21 =	sadd.s32 $0x460, s14  }
0x1ff: {  	[hbm4b:s21+s16] =	stream.strided.scatter [tilespmem:s17], [sflag:$0x8], $0x400, s20, s16, $0x38;
	[tilespmem:$0x18100] =	vst v63  }
0x200: {  	s22 =	sadd.s32 $0x470, s14;
	s23 =	simm.s32 $0x7D00;
	s25 =	simm.s32 $0x9  }
0x201: {  	[hbm4b:s22+s16] =	stream.strided.scatter [tilespmem:s23], [sflag:$0x8], $0x400, s20, s16, $0x38;
	[tilespmem:$0x18100] =	vst v63  }
0x202: {  	_ =	swait.ge [sflag:s25], $0x4000  }
0x203: {  	[sflag:s25] =	ssyncset.done $0x0  }
0x204: {  	s26 =	simm.s32 $0xA;
	[sflag:s25] =	ssyncadd.s32 $0xFFFFC000  }
0x205: {  	_ =	swait.ge [sflag:s26], $0x4000  }
0x206: {  	[sflag:s26] =	ssyncset.done $0x0  }
0x207: {  	s28 =	simm.s32 $0xB;
	[sflag:s26] =	ssyncadd.s32 $0xFFFFC000  }
0x208: {  	_ =	swait.ge [sflag:s28], $0x4000  }
0x209: {  	[sflag:s28] =	ssyncset.done $0x0  }
0x20a: {  	s29 =	simm.s32 $0xC;
	[sflag:s28] =	ssyncadd.s32 $0xFFFFC000  }
0x20b: {  	_ =	swait.ge [sflag:s29], $0x4000  }
0x20c: {  	[sflag:s29] =	ssyncset.done $0x0  }
0x20d: {  	[sflag:s29] =	ssyncadd.s32 $0xFFFFC000  }
0x20e: {  	p0 =	sne.s32 s2, $0x1;
	_ =	swait.ge [sflag:s18], $0x4000  }
.Ltmp0:
0x20f: {  	[sflag:s18] =	ssyncset.done $0x0;
	(pc) =	sbr.rel @p0 .LBB2_1-.Ltmp0, $4  }
0x210: {  	[sflag:s18] =	ssyncadd.s32 $0xFFFFC000  }
0x211: {  	_ =	swait.ge [sflag:s30], $0x4000  }
0x212: {  	[sflag:s30] =	ssyncset.done $0x0  }
0x213: {  	s2 =	sadd.s32 $0xFFFFFFFF, s2;
	[sflag:s30] =	ssyncadd.s32 $0xFFFFC000  }
0x214: {  	_ =	sfence.sel $0x180000  }
0x215: {  	[bflag:$0x0] =	sbarrier.arrive $0xFFFF  }
0x216: {  	_ =	strace $0x90000047  }
0x217: {  	s0 =	stileid.u32;
	[bflag:$0x2] =	sbarrier.arrive $0xFFFF  }
0x218: {  	p0 =	sne.s32 s0, $0x0;
	s0 =	rddreg [dreg:$0x4]  }
0x219: {  	s0 =	sadd.s32 @!p0 $0x100000, s0  }
0x21a: {  	[sflag:s0] =	ssyncadd.tile.s32 @!p0 $0x1;
	_ =	shalt  }
.Lfunc_end2:
_tile_overlayer_lowered:
.L_overlay_start_2:
0x21b: {  	(tag) =	ssettag $0x2  }
0x21c: {  	s0 =	rddreg [dreg:$0x0];
	s2 =	stileid.u32  }
0x21d: {  	s1 =	rddreg [dreg:$0x1];
	p0 =	sne.s32 s2, $0x0  }
0x21e: {  	s3 =	rddreg [dreg:$0x2];
	[bflag:$0x3] =	sbarrier.arrive $0xFFFF;
	s2 =	simm.s32 @!p0 $0x1C0D  }
0x21f: {  	[timem:s3], [sflag:s2] =	dma.local @!p0 [hbm:s0], s1  }
0x220: {  	s0 =	simm.s32 @!p0 $0xD  }
0x221: {  	_ =	swait.ge @!p0 [sflag:s0], s1  }
0x222: {  	s1 =	ssub.s32 @!p0 $0x0, s1;
	[sflag:s0] =	ssyncset.done @!p0 $0x0  }
0x223: {  	[sflag:s0] =	ssyncadd.s32 @!p0 s1  }
0x224: {  	[bflag:$0x3] =	sbarrier.arrive $0xFFFF  }
0x225: {  	_ =	shalt  }

</sc_bundles>
